<compile_context>
chip_gen: v7x
topology: tpu7x:2x2x1
jax: 0.10.2.dev20260603
libtpu: 0.0.44.dev20260713+nightly
codegen_flags: <defaults>
</compile_context>

<pallas_src>
import functools

import jax
import jax.numpy as jnp
from jax import lax
from jax.experimental import pallas as pl
from jax.experimental.pallas import tpu as pltpu
from jax.experimental.pallas import tpu_sc as plsc

N_FIELDS = 26
CARD = 100000
EMB_DIM = 24
BATCH = 16384
N_ROWS = N_FIELDS * EMB_DIM

_info = plsc.get_sparse_core_info()
_NC, _NS = _info.num_cores, _info.num_subcores
NW = _NC * _NS

CB = 2048
N_CB = BATCH // CB
N_VEC = CB // 16

_mesh = plsc.VectorSubcoreMesh(core_axis_name="c", subcore_axis_name="s")


@functools.partial(
    pl.kernel,
    mesh=_mesh,
    out_type=jax.ShapeDtypeStruct((N_ROWS, BATCH), jnp.float32),
    compiler_params=pltpu.CompilerParams(use_tc_tiling_on_sc=True, needs_layout_passes=False),
    scratch_types=[
        pltpu.VMEM((CARD,), jnp.float32),
        pltpu.VMEM((BATCH,), jnp.int32),
        pltpu.VMEM((CB,), jnp.float32),
        pltpu.VMEM((CB,), jnp.float32),
        pltpu.SemaphoreType.DMA,
        pltpu.SemaphoreType.DMA,
    ],
)
def _gather_kernel(tab_hbm, idx_hbm, out_hbm, row_v, idxrow_v, out0_v, out1_v,
                   osem0, osem1):
    wid = lax.axis_index("s") * _NC + lax.axis_index("c")
    lo = (N_ROWS * wid) // NW
    hi = (N_ROWS * (wid + 1)) // NW
    j_lo = lo // EMB_DIM
    j_hi = (hi - 1) // EMB_DIM + 1

    def j_body(j, carry):
        pltpu.sync_copy(idx_hbm.at[j], idxrow_v)
        d_lo = lax.max(lo - j * EMB_DIM, 0)
        d_hi = lax.min(hi - j * EMB_DIM, EMB_DIM)

        def d_body(d, carry2):
            r = j * EMB_DIM + d
            pltpu.sync_copy(tab_hbm.at[j, d, :], row_v)
            handles = [None] * N_CB
            for c in range(N_CB):
                buf, sem = ((out0_v, osem0) if c % 2 == 0
                            else (out1_v, osem1))
                if c >= 2:
                    handles[c - 2].wait()

                @plsc.parallel_loop(c * CB, (c + 1) * CB, 16, unroll=16)
                def vec_body(s):
                    iv = idxrow_v[pl.ds(s, 16)]
                    buf[pl.ds(s - c * CB, 16)] = plsc.load_gather(row_v, [iv])

                handles[c] = pltpu.async_copy(
                    buf, out_hbm.at[r, pl.ds(c * CB, CB)], sem)
            handles[N_CB - 2].wait()
            handles[N_CB - 1].wait()
            return carry2

        lax.fori_loop(d_lo, d_hi, d_body, 0)
        return carry

    lax.fori_loop(j_lo, j_hi, j_body, 0)


def kernel(x_cat, tables):
    tab_t = jnp.transpose(tables, (0, 2, 1))
    idx_t = jnp.transpose(x_cat, (1, 0))
    out_t = _gather_kernel(tab_t, idx_t)
    return jnp.transpose(out_t, (1, 0))

# --- scband reference (transcript-rebuilt; emitter-appended) ---
"""Pipeline reference for scband-cat-embed-22247930593831 (READ-ONLY COPY).

The authoritative reference and input builder live on the scoring server;
editing this copy changes nothing except your own understanding.
"""

import jax, jax.numpy as jnp
import numpy as np

N_FIELDS = 26
CARD = 100000
EMB_DIM = 24  # emb_dim_from_card(100000) = clip(round(1.8 * 100000**0.25), 4, 24) = 24
BATCH = 16384


def setup_inputs(seed: int = 0) -> dict:
    key = jax.random.key(seed)
    k_idx, k_tab = jax.random.split(key)
    x_cat = jax.random.randint(k_idx, (BATCH, N_FIELDS), 0, CARD, dtype=jnp.int32)
    # All 26 fields have the same cardinality (100000) and thus the same emb dim (24),
    # so the 26 nn.Embedding tables are stacked into one [26, 100000, 24] array.
    tables = jax.random.normal(k_tab, (N_FIELDS, CARD, EMB_DIM), dtype=jnp.float32) * 0.02
    return {"x_cat": x_cat, "tables": tables}


def reference(x_cat, tables):
    # Faithful translation of CatEmbed.forward:
    #   zs = [emb(x_cat[:, j]) for j, emb in enumerate(self.embs)]
    #   return torch.cat(zs, dim=1)
    zs = [jnp.take(tables[j], x_cat[:, j], axis=0) for j in range(N_FIELDS)]
    return jnp.concatenate(zs, axis=1)

if __name__ == "__main__":
    import jax
    _d = setup_inputs()
    print(jax.jit(kernel)(*tuple(_d.values())))

</pallas_src>

<mosaic_0001>
#map = affine_map<(d0, d1) -> (0, 0, 0)>
#map1 = affine_map<(d0, d1) -> (0, 0)>
module attributes {stable_mosaic.version = 14 : i64} {
  func.func @_gather_kernel(%arg0: i32, %arg1: i32, %arg2: memref<26x24x100000xf32, #tpu.memory_space<hbm>>, %arg3: memref<26x16384xi32, #tpu.memory_space<hbm>>, %arg4: memref<624x16384xf32, #tpu.memory_space<hbm>>, %arg5: memref<100000xf32, #tpu.memory_space<vmem>>, %arg6: memref<16384xi32, #tpu.memory_space<vmem>>, %arg7: memref<2048xf32, #tpu.memory_space<vmem>>, %arg8: memref<2048xf32, #tpu.memory_space<vmem>>, %arg9: memref<!tpu.dma_semaphore, #tpu.memory_space<semaphore_mem>>, %arg10: memref<!tpu.dma_semaphore, #tpu.memory_space<semaphore_mem>>) attributes {dimension_semantics = [#tpu.dimension_semantics<core_parallel>, #tpu.dimension_semantics<subcore_parallel>], iteration_bounds = array<i64: 2, 16>, scalar_prefetch = 0 : i64, scratch_operands = 6 : i64, tpu.core_type = #tpu.core_type<sc_vector_subcore>, window_params = [{transform_indices = #map}, {transform_indices = #map1}, {transform_indices = #map1}]} {
    %mul3A = arith.constant 2 : i32
    %mul3A_0 = arith.muli %arg1, %mul3A : i32
    %add3A = arith.addi %mul3A_0, %arg0 : i32
    %mul3A_1 = arith.constant 624 : i32
    %mul3A_2 = arith.muli %mul3A_1, %add3A : i32
    %jit3A = arith.constant 32 : i32
    %div3A = arith.divsi %mul3A_2, %jit3A : i32
    %sign3A = arith.constant 0 : i32
    %sign3A_3 = arith.cmpi sgt, %mul3A_2, %sign3A : i32
    %sign3A_4 = arith.extui %sign3A_3 : i1 to i32
    %sign3A_5 = arith.constant 0 : i32
    %sign3A_6 = arith.cmpi slt, %mul3A_2, %sign3A_5 : i32
    %sign3A_7 = arith.extui %sign3A_6 : i1 to i32
    %sign3A_8 = arith.subi %sign3A_4, %sign3A_7 : i32
    %sign3A_9 = arith.constant 0 : i32
    %sign3A_10 = arith.cmpi sgt, %jit3A, %sign3A_9 : i32
    %sign3A_11 = arith.extui %sign3A_10 : i1 to i32
    %sign3A_12 = arith.constant 0 : i32
    %sign3A_13 = arith.cmpi slt, %jit3A, %sign3A_12 : i32
    %sign3A_14 = arith.extui %sign3A_13 : i1 to i32
    %sign3A_15 = arith.subi %sign3A_11, %sign3A_14 : i32
    %ne3A = arith.cmpi ne, %sign3A_8, %sign3A_15 : i32
    %rem3A = arith.remsi %mul3A_2, %jit3A : i32
    %ne3A_16 = arith.constant 0 : i32
    %ne3A_17 = arith.cmpi ne, %rem3A, %ne3A_16 : i32
    %and3A = arith.andi %ne3A, %ne3A_17 : i1
    %sub3A = arith.constant 1 : i32
    %sub3A_18 = arith.subi %div3A, %sub3A : i32
    %select_n3A = arith.select %and3A, %sub3A_18, %div3A : i32
    %add3A_19 = arith.constant 1 : i32
    %add3A_20 = arith.addi %add3A, %add3A_19 : i32
    %mul3A_21 = arith.constant 624 : i32
    %mul3A_22 = arith.muli %mul3A_21, %add3A_20 : i32
    %jit3A_23 = arith.constant 32 : i32
    %div3A_24 = arith.divsi %mul3A_22, %jit3A_23 : i32
    %sign3A_25 = arith.constant 0 : i32
    %sign3A_26 = arith.cmpi sgt, %mul3A_22, %sign3A_25 : i32
    %sign3A_27 = arith.extui %sign3A_26 : i1 to i32
    %sign3A_28 = arith.constant 0 : i32
    %sign3A_29 = arith.cmpi slt, %mul3A_22, %sign3A_28 : i32
    %sign3A_30 = arith.extui %sign3A_29 : i1 to i32
    %sign3A_31 = arith.subi %sign3A_27, %sign3A_30 : i32
    %sign3A_32 = arith.constant 0 : i32
    %sign3A_33 = arith.cmpi sgt, %jit3A_23, %sign3A_32 : i32
    %sign3A_34 = arith.extui %sign3A_33 : i1 to i32
    %sign3A_35 = arith.constant 0 : i32
    %sign3A_36 = arith.cmpi slt, %jit3A_23, %sign3A_35 : i32
    %sign3A_37 = arith.extui %sign3A_36 : i1 to i32
    %sign3A_38 = arith.subi %sign3A_34, %sign3A_37 : i32
    %ne3A_39 = arith.cmpi ne, %sign3A_31, %sign3A_38 : i32
    %rem3A_40 = arith.remsi %mul3A_22, %jit3A_23 : i32
    %ne3A_41 = arith.constant 0 : i32
    %ne3A_42 = arith.cmpi ne, %rem3A_40, %ne3A_41 : i32
    %and3A_43 = arith.andi %ne3A_39, %ne3A_42 : i1
    %sub3A_44 = arith.constant 1 : i32
    %sub3A_45 = arith.subi %div3A_24, %sub3A_44 : i32
    %select_n3A_46 = arith.select %and3A_43, %sub3A_45, %div3A_24 : i32
    %jit3A_47 = arith.constant 24 : i32
    %div3A_48 = arith.divsi %select_n3A, %jit3A_47 : i32
    %sign3A_49 = arith.constant 0 : i32
    %sign3A_50 = arith.cmpi sgt, %select_n3A, %sign3A_49 : i32
    %sign3A_51 = arith.extui %sign3A_50 : i1 to i32
    %sign3A_52 = arith.constant 0 : i32
    %sign3A_53 = arith.cmpi slt, %select_n3A, %sign3A_52 : i32
    %sign3A_54 = arith.extui %sign3A_53 : i1 to i32
    %sign3A_55 = arith.subi %sign3A_51, %sign3A_54 : i32
    %sign3A_56 = arith.constant 0 : i32
    %sign3A_57 = arith.cmpi sgt, %jit3A_47, %sign3A_56 : i32
    %sign3A_58 = arith.extui %sign3A_57 : i1 to i32
    %sign3A_59 = arith.constant 0 : i32
    %sign3A_60 = arith.cmpi slt, %jit3A_47, %sign3A_59 : i32
    %sign3A_61 = arith.extui %sign3A_60 : i1 to i32
    %sign3A_62 = arith.subi %sign3A_58, %sign3A_61 : i32
    %ne3A_63 = arith.cmpi ne, %sign3A_55, %sign3A_62 : i32
    %rem3A_64 = arith.remsi %select_n3A, %jit3A_47 : i32
    %ne3A_65 = arith.constant 0 : i32
    %ne3A_66 = arith.cmpi ne, %rem3A_64, %ne3A_65 : i32
    %and3A_67 = arith.andi %ne3A_63, %ne3A_66 : i1
    %sub3A_68 = arith.constant 1 : i32
    %sub3A_69 = arith.subi %div3A_48, %sub3A_68 : i32
    %select_n3A_70 = arith.select %and3A_67, %sub3A_69, %div3A_48 : i32
    %sub3A_71 = arith.constant 1 : i32
    %sub3A_72 = arith.subi %select_n3A_46, %sub3A_71 : i32
    %jit3A_73 = arith.constant 24 : i32
    %div3A_74 = arith.divsi %sub3A_72, %jit3A_73 : i32
    %sign3A_75 = arith.constant 0 : i32
    %sign3A_76 = arith.cmpi sgt, %sub3A_72, %sign3A_75 : i32
    %sign3A_77 = arith.extui %sign3A_76 : i1 to i32
    %sign3A_78 = arith.constant 0 : i32
    %sign3A_79 = arith.cmpi slt, %sub3A_72, %sign3A_78 : i32
    %sign3A_80 = arith.extui %sign3A_79 : i1 to i32
    %sign3A_81 = arith.subi %sign3A_77, %sign3A_80 : i32
    %sign3A_82 = arith.constant 0 : i32
    %sign3A_83 = arith.cmpi sgt, %jit3A_73, %sign3A_82 : i32
    %sign3A_84 = arith.extui %sign3A_83 : i1 to i32
    %sign3A_85 = arith.constant 0 : i32
    %sign3A_86 = arith.cmpi slt, %jit3A_73, %sign3A_85 : i32
    %sign3A_87 = arith.extui %sign3A_86 : i1 to i32
    %sign3A_88 = arith.subi %sign3A_84, %sign3A_87 : i32
    %ne3A_89 = arith.cmpi ne, %sign3A_81, %sign3A_88 : i32
    %rem3A_90 = arith.remsi %sub3A_72, %jit3A_73 : i32
    %ne3A_91 = arith.constant 0 : i32
    %ne3A_92 = arith.cmpi ne, %rem3A_90, %ne3A_91 : i32
    %and3A_93 = arith.andi %ne3A_89, %ne3A_92 : i1
    %sub3A_94 = arith.constant 1 : i32
    %sub3A_95 = arith.subi %div3A_74, %sub3A_94 : i32
    %select_n3A_96 = arith.select %and3A_93, %sub3A_95, %div3A_74 : i32
    %add3A_97 = arith.constant 1 : i32
    %add3A_98 = arith.addi %select_n3A_96, %add3A_97 : i32
    %while3A = arith.constant 0 : i32
    %while3A_99 = arith.subi %add3A_98, %select_n3A_70 : i32
    %while3A_100 = arith.addi %select_n3A_70, %while3A_99 : i32
    %while3A_101 = arith.constant 1 : i32
    %while3A_102 = arith.divsi %while3A_99, %while3A_101 : i32
    %while3A_103 = arith.muli %while3A_102, %while3A_101 : i32
    %while3A_104 = arith.addi %select_n3A_70, %while3A_103 : i32
    %while3A_105 = arith.constant 1 : i32
    scf.for %while3A_107 = %select_n3A_70 to %while3A_104 step %while3A_105  : i32 {
      "tpu.region"() ({
        %run_scoped3A = tpu.sem_alloc : memref<!tpu.dma_semaphore, #tpu.memory_space<semaphore_mem>>
        %dma_start3A = arith.constant 0 : i32
        %dma_start3A_125 = tpu.memref_slice %arg3[%while3A_107, %dma_start3A] : memref<26x16384xi32, #tpu.memory_space<hbm>> -> memref<1x16384xi32, #tpu.memory_space<hbm>>
        %dma_start3A_126 = tpu.memref_squeeze %dma_start3A_125 : memref<1x16384xi32, #tpu.memory_space<hbm>> -> memref<16384xi32, #tpu.memory_space<hbm>>
        %dma_start3A_127 = arith.constant 0 : i32
        %dma_start3A_128 = tpu.memref_slice %arg3[%while3A_107, %dma_start3A_127] : memref<26x16384xi32, #tpu.memory_space<hbm>> -> memref<1x16384xi32, #tpu.memory_space<hbm>>
        %dma_start3A_129 = tpu.memref_squeeze %dma_start3A_128 : memref<1x16384xi32, #tpu.memory_space<hbm>> -> memref<16384xi32, #tpu.memory_space<hbm>>
        tpu.enqueue_dma source(%dma_start3A_129 : memref<16384xi32, #tpu.memory_space<hbm>>) target(%arg6 : memref<16384xi32, #tpu.memory_space<vmem>>) target_semaphore(%run_scoped3A : memref<!tpu.dma_semaphore, #tpu.memory_space<semaphore_mem>>)
        %dma_wait3A = arith.constant 0 : i32
        %dma_wait3A_130 = tpu.memref_slice %arg3[%while3A_107, %dma_wait3A] : memref<26x16384xi32, #tpu.memory_space<hbm>> -> memref<1x16384xi32, #tpu.memory_space<hbm>>
        %dma_wait3A_131 = tpu.memref_squeeze %dma_wait3A_130 : memref<1x16384xi32, #tpu.memory_space<hbm>> -> memref<16384xi32, #tpu.memory_space<hbm>>
        %dma_wait3A_132 = arith.constant 0 : i32
        %dma_wait3A_133 = tpu.memref_slice %arg3[%while3A_107, %dma_wait3A_132] : memref<26x16384xi32, #tpu.memory_space<hbm>> -> memref<1x16384xi32, #tpu.memory_space<hbm>>
        %dma_wait3A_134 = tpu.memref_squeeze %dma_wait3A_133 : memref<1x16384xi32, #tpu.memory_space<hbm>> -> memref<16384xi32, #tpu.memory_space<hbm>>
        tpu.wait_dma2 semaphore(%run_scoped3A : memref<!tpu.dma_semaphore, #tpu.memory_space<semaphore_mem>>) src(%dma_wait3A_134 : memref<16384xi32, #tpu.memory_space<hbm>>) dst(%arg6 : memref<16384xi32, #tpu.memory_space<vmem>>)
        tpu.yield
      }) : () -> ()
      %mul3A_108 = arith.constant 24 : i32
      %mul3A_109 = arith.muli %while3A_107, %mul3A_108 : i32
      %sub3A_110 = arith.subi %select_n3A, %mul3A_109 : i32
      %max3A = arith.constant 0 : i32
      %max3A_111 = arith.maxsi %sub3A_110, %max3A : i32
      %mul3A_112 = arith.constant 24 : i32
      %mul3A_113 = arith.muli %while3A_107, %mul3A_112 : i32
      %sub3A_114 = arith.subi %select_n3A_46, %mul3A_113 : i32
      %min3A = arith.constant 24 : i32
      %min3A_115 = arith.minsi %sub3A_114, %min3A : i32
      %while3A_116 = arith.constant 0 : i32
      %while3A_117 = arith.subi %min3A_115, %max3A_111 : i32
      %while3A_118 = arith.addi %max3A_111, %while3A_117 : i32
      %while3A_119 = arith.constant 1 : i32
      %while3A_120 = arith.divsi %while3A_117, %while3A_119 : i32
      %while3A_121 = arith.muli %while3A_120, %while3A_119 : i32
      %while3A_122 = arith.addi %max3A_111, %while3A_121 : i32
      %while3A_123 = arith.constant 1 : i32
      scf.for %while3A_125 = %max3A_111 to %while3A_122 step %while3A_123  : i32 {
        %mul3A_126 = arith.constant 24 : i32
        %mul3A_127 = arith.muli %while3A_107, %mul3A_126 : i32
        %add3A_128 = arith.addi %mul3A_127, %while3A_125 : i32
        "tpu.region"() ({
          %run_scoped3A = tpu.sem_alloc : memref<!tpu.dma_semaphore, #tpu.memory_space<semaphore_mem>>
          %dma_start3A_246 = arith.constant 0 : i32
          %dma_start3A_247 = tpu.memref_slice %arg2[%while3A_107, %while3A_125, %dma_start3A_246] : memref<26x24x100000xf32, #tpu.memory_space<hbm>> -> memref<1x1x100000xf32, #tpu.memory_space<hbm>>
          %dma_start3A_248 = tpu.memref_squeeze %dma_start3A_247 : memref<1x1x100000xf32, #tpu.memory_space<hbm>> -> memref<100000xf32, #tpu.memory_space<hbm>>
          %dma_start3A_249 = arith.constant 0 : i32
          %dma_start3A_250 = tpu.memref_slice %arg2[%while3A_107, %while3A_125, %dma_start3A_249] : memref<26x24x100000xf32, #tpu.memory_space<hbm>> -> memref<1x1x100000xf32, #tpu.memory_space<hbm>>
          %dma_start3A_251 = tpu.memref_squeeze %dma_start3A_250 : memref<1x1x100000xf32, #tpu.memory_space<hbm>> -> memref<100000xf32, #tpu.memory_space<hbm>>
          tpu.enqueue_dma source(%dma_start3A_251 : memref<100000xf32, #tpu.memory_space<hbm>>) target(%arg5 : memref<100000xf32, #tpu.memory_space<vmem>>) target_semaphore(%run_scoped3A : memref<!tpu.dma_semaphore, #tpu.memory_space<semaphore_mem>>)
          %dma_wait3A_252 = arith.constant 0 : i32
          %dma_wait3A_253 = tpu.memref_slice %arg2[%while3A_107, %while3A_125, %dma_wait3A_252] : memref<26x24x100000xf32, #tpu.memory_space<hbm>> -> memref<1x1x100000xf32, #tpu.memory_space<hbm>>
          %dma_wait3A_254 = tpu.memref_squeeze %dma_wait3A_253 : memref<1x1x100000xf32, #tpu.memory_space<hbm>> -> memref<100000xf32, #tpu.memory_space<hbm>>
          %dma_wait3A_255 = arith.constant 0 : i32
          %dma_wait3A_256 = tpu.memref_slice %arg2[%while3A_107, %while3A_125, %dma_wait3A_255] : memref<26x24x100000xf32, #tpu.memory_space<hbm>> -> memref<1x1x100000xf32, #tpu.memory_space<hbm>>
          %dma_wait3A_257 = tpu.memref_squeeze %dma_wait3A_256 : memref<1x1x100000xf32, #tpu.memory_space<hbm>> -> memref<100000xf32, #tpu.memory_space<hbm>>
          tpu.wait_dma2 semaphore(%run_scoped3A : memref<!tpu.dma_semaphore, #tpu.memory_space<semaphore_mem>>) src(%dma_wait3A_257 : memref<100000xf32, #tpu.memory_space<hbm>>) dst(%arg5 : memref<100000xf32, #tpu.memory_space<vmem>>)
          tpu.yield
        }) : () -> ()
        %parallel_loop3A = arith.constant 0 : i32
        %parallel_loop3A_129 = arith.constant 2048 : i32
        %parallel_loop3A_130 = arith.constant 16 : i32
        scf.for %parallel_loop3A_246 = %parallel_loop3A to %parallel_loop3A_129 step %parallel_loop3A_130  : i32 {
          %parallel_loop3A_247 = arith.index_cast %parallel_loop3A_246 : i32 to index
          %parallel_loop3A_248 = tpu.vector_load %arg6[%parallel_loop3A_247] {strides = array<i32>} : memref<16384xi32, #tpu.memory_space<vmem>>, vector<16xi32>,
          %parallel_loop3A_249 = tpu.vector_load_idx %arg5[%parallel_loop3A_248] : memref<100000xf32, #tpu.memory_space<vmem>>[vector<16xi32>], vector<16xf32>,
          %parallel_loop3A_250 = arith.constant 0 : i32
          %parallel_loop3A_251 = arith.subi %parallel_loop3A_246, %parallel_loop3A_250 : i32
          %parallel_loop3A_252 = arith.index_cast %parallel_loop3A_251 : i32 to index
          %parallel_loop3A_253 = tpu.vector_load %arg7[%parallel_loop3A_252] {strides = array<i32>} : memref<2048xf32, #tpu.memory_space<vmem>>, vector<16xf32>,
          tpu.vector_store %arg7[%parallel_loop3A_252], %parallel_loop3A_249 {strides = array<i32>} : memref<2048xf32, #tpu.memory_space<vmem>>, vector<16xf32>,
        } {sc.loop_unroll_factor = 16 : i64, sc.parallel_access}
        %dma_start3A = arith.constant 0 : i32
        %dma_start3A_131 = tpu.memref_slice %arg4[%add3A_128, %dma_start3A] : memref<624x16384xf32, #tpu.memory_space<hbm>> -> memref<1x2048xf32, #tpu.memory_space<hbm>>
        %dma_start3A_132 = tpu.memref_squeeze %dma_start3A_131 : memref<1x2048xf32, #tpu.memory_space<hbm>> -> memref<2048xf32, #tpu.memory_space<hbm>>
        %dma_start3A_133 = arith.constant 0 : i32
        %dma_start3A_134 = tpu.memref_slice %arg4[%add3A_128, %dma_start3A_133] : memref<624x16384xf32, #tpu.memory_space<hbm>> -> memref<1x2048xf32, #tpu.memory_space<hbm>>
        %dma_start3A_135 = tpu.memref_squeeze %dma_start3A_134 : memref<1x2048xf32, #tpu.memory_space<hbm>> -> memref<2048xf32, #tpu.memory_space<hbm>>
        tpu.enqueue_dma source(%arg7 : memref<2048xf32, #tpu.memory_space<vmem>>) target(%dma_start3A_135 : memref<2048xf32, #tpu.memory_space<hbm>>) target_semaphore(%arg9 : memref<!tpu.dma_semaphore, #tpu.memory_space<semaphore_mem>>)
        %parallel_loop3A_136 = arith.constant 2048 : i32
        %parallel_loop3A_137 = arith.constant 4096 : i32
        %parallel_loop3A_138 = arith.constant 16 : i32
        scf.for %parallel_loop3A_246 = %parallel_loop3A_136 to %parallel_loop3A_137 step %parallel_loop3A_138  : i32 {
          %parallel_loop3A_247 = arith.index_cast %parallel_loop3A_246 : i32 to index
          %parallel_loop3A_248 = tpu.vector_load %arg6[%parallel_loop3A_247] {strides = array<i32>} : memref<16384xi32, #tpu.memory_space<vmem>>, vector<16xi32>,
          %parallel_loop3A_249 = tpu.vector_load_idx %arg5[%parallel_loop3A_248] : memref<100000xf32, #tpu.memory_space<vmem>>[vector<16xi32>], vector<16xf32>,
          %parallel_loop3A_250 = arith.constant 2048 : i32
          %parallel_loop3A_251 = arith.subi %parallel_loop3A_246, %parallel_loop3A_250 : i32
          %parallel_loop3A_252 = arith.index_cast %parallel_loop3A_251 : i32 to index
          %parallel_loop3A_253 = tpu.vector_load %arg8[%parallel_loop3A_252] {strides = array<i32>} : memref<2048xf32, #tpu.memory_space<vmem>>, vector<16xf32>,
          tpu.vector_store %arg8[%parallel_loop3A_252], %parallel_loop3A_249 {strides = array<i32>} : memref<2048xf32, #tpu.memory_space<vmem>>, vector<16xf32>,
        } {sc.loop_unroll_factor = 16 : i64, sc.parallel_access}
        %dma_start3A_139 = arith.constant 2048 : i32
        %dma_start3A_140 = tpu.memref_slice %arg4[%add3A_128, %dma_start3A_139] : memref<624x16384xf32, #tpu.memory_space<hbm>> -> memref<1x2048xf32, #tpu.memory_space<hbm>>
        %dma_start3A_141 = tpu.memref_squeeze %dma_start3A_140 : memref<1x2048xf32, #tpu.memory_space<hbm>> -> memref<2048xf32, #tpu.memory_space<hbm>>
        %dma_start3A_142 = arith.constant 2048 : i32
        %dma_start3A_143 = tpu.memref_slice %arg4[%add3A_128, %dma_start3A_142] : memref<624x16384xf32, #tpu.memory_space<hbm>> -> memref<1x2048xf32, #tpu.memory_space<hbm>>
        %dma_start3A_144 = tpu.memref_squeeze %dma_start3A_143 : memref<1x2048xf32, #tpu.memory_space<hbm>> -> memref<2048xf32, #tpu.memory_space<hbm>>
        tpu.enqueue_dma source(%arg8 : memref<2048xf32, #tpu.memory_space<vmem>>) target(%dma_start3A_144 : memref<2048xf32, #tpu.memory_space<hbm>>) target_semaphore(%arg10 : memref<!tpu.dma_semaphore, #tpu.memory_space<semaphore_mem>>)
        %dma_wait3A = arith.constant 0 : i32
        %dma_wait3A_145 = tpu.memref_slice %arg4[%add3A_128, %dma_wait3A] : memref<624x16384xf32, #tpu.memory_space<hbm>> -> memref<1x2048xf32, #tpu.memory_space<hbm>>
        %dma_wait3A_146 = tpu.memref_squeeze %dma_wait3A_145 : memref<1x2048xf32, #tpu.memory_space<hbm>> -> memref<2048xf32, #tpu.memory_space<hbm>>
        %dma_wait3A_147 = arith.constant 0 : i32
        %dma_wait3A_148 = tpu.memref_slice %arg4[%add3A_128, %dma_wait3A_147] : memref<624x16384xf32, #tpu.memory_space<hbm>> -> memref<1x2048xf32, #tpu.memory_space<hbm>>
        %dma_wait3A_149 = tpu.memref_squeeze %dma_wait3A_148 : memref<1x2048xf32, #tpu.memory_space<hbm>> -> memref<2048xf32, #tpu.memory_space<hbm>>
        tpu.wait_dma2 semaphore(%arg9 : memref<!tpu.dma_semaphore, #tpu.memory_space<semaphore_mem>>) src(%arg7 : memref<2048xf32, #tpu.memory_space<vmem>>) dst(%dma_wait3A_149 : memref<2048xf32, #tpu.memory_space<hbm>>)
        %parallel_loop3A_150 = arith.constant 4096 : i32
        %parallel_loop3A_151 = arith.constant 6144 : i32
        %parallel_loop3A_152 = arith.constant 16 : i32
        scf.for %parallel_loop3A_246 = %parallel_loop3A_150 to %parallel_loop3A_151 step %parallel_loop3A_152  : i32 {
          %parallel_loop3A_247 = arith.index_cast %parallel_loop3A_246 : i32 to index
          %parallel_loop3A_248 = tpu.vector_load %arg6[%parallel_loop3A_247] {strides = array<i32>} : memref<16384xi32, #tpu.memory_space<vmem>>, vector<16xi32>,
          %parallel_loop3A_249 = tpu.vector_load_idx %arg5[%parallel_loop3A_248] : memref<100000xf32, #tpu.memory_space<vmem>>[vector<16xi32>], vector<16xf32>,
          %parallel_loop3A_250 = arith.constant 4096 : i32
          %parallel_loop3A_251 = arith.subi %parallel_loop3A_246, %parallel_loop3A_250 : i32
          %parallel_loop3A_252 = arith.index_cast %parallel_loop3A_251 : i32 to index
          %parallel_loop3A_253 = tpu.vector_load %arg7[%parallel_loop3A_252] {strides = array<i32>} : memref<2048xf32, #tpu.memory_space<vmem>>, vector<16xf32>,
          tpu.vector_store %arg7[%parallel_loop3A_252], %parallel_loop3A_249 {strides = array<i32>} : memref<2048xf32, #tpu.memory_space<vmem>>, vector<16xf32>,
        } {sc.loop_unroll_factor = 16 : i64, sc.parallel_access}
        %dma_start3A_153 = arith.constant 4096 : i32
        %dma_start3A_154 = tpu.memref_slice %arg4[%add3A_128, %dma_start3A_153] : memref<624x16384xf32, #tpu.memory_space<hbm>> -> memref<1x2048xf32, #tpu.memory_space<hbm>>
        %dma_start3A_155 = tpu.memref_squeeze %dma_start3A_154 : memref<1x2048xf32, #tpu.memory_space<hbm>> -> memref<2048xf32, #tpu.memory_space<hbm>>
        %dma_start3A_156 = arith.constant 4096 : i32
        %dma_start3A_157 = tpu.memref_slice %arg4[%add3A_128, %dma_start3A_156] : memref<624x16384xf32, #tpu.memory_space<hbm>> -> memref<1x2048xf32, #tpu.memory_space<hbm>>
        %dma_start3A_158 = tpu.memref_squeeze %dma_start3A_157 : memref<1x2048xf32, #tpu.memory_space<hbm>> -> memref<2048xf32, #tpu.memory_space<hbm>>
        tpu.enqueue_dma source(%arg7 : memref<2048xf32, #tpu.memory_space<vmem>>) target(%dma_start3A_158 : memref<2048xf32, #tpu.memory_space<hbm>>) target_semaphore(%arg9 : memref<!tpu.dma_semaphore, #tpu.memory_space<semaphore_mem>>)
        %dma_wait3A_159 = arith.constant 2048 : i32
        %dma_wait3A_160 = tpu.memref_slice %arg4[%add3A_128, %dma_wait3A_159] : memref<624x16384xf32, #tpu.memory_space<hbm>> -> memref<1x2048xf32, #tpu.memory_space<hbm>>
        %dma_wait3A_161 = tpu.memref_squeeze %dma_wait3A_160 : memref<1x2048xf32, #tpu.memory_space<hbm>> -> memref<2048xf32, #tpu.memory_space<hbm>>
        %dma_wait3A_162 = arith.constant 2048 : i32
        %dma_wait3A_163 = tpu.memref_slice %arg4[%add3A_128, %dma_wait3A_162] : memref<624x16384xf32, #tpu.memory_space<hbm>> -> memref<1x2048xf32, #tpu.memory_space<hbm>>
        %dma_wait3A_164 = tpu.memref_squeeze %dma_wait3A_163 : memref<1x2048xf32, #tpu.memory_space<hbm>> -> memref<2048xf32, #tpu.memory_space<hbm>>
        tpu.wait_dma2 semaphore(%arg10 : memref<!tpu.dma_semaphore, #tpu.memory_space<semaphore_mem>>) src(%arg8 : memref<2048xf32, #tpu.memory_space<vmem>>) dst(%dma_wait3A_164 : memref<2048xf32, #tpu.memory_space<hbm>>)
        %parallel_loop3A_165 = arith.constant 6144 : i32
        %parallel_loop3A_166 = arith.constant 8192 : i32
        %parallel_loop3A_167 = arith.constant 16 : i32
        scf.for %parallel_loop3A_246 = %parallel_loop3A_165 to %parallel_loop3A_166 step %parallel_loop3A_167  : i32 {
          %parallel_loop3A_247 = arith.index_cast %parallel_loop3A_246 : i32 to index
          %parallel_loop3A_248 = tpu.vector_load %arg6[%parallel_loop3A_247] {strides = array<i32>} : memref<16384xi32, #tpu.memory_space<vmem>>, vector<16xi32>,
          %parallel_loop3A_249 = tpu.vector_load_idx %arg5[%parallel_loop3A_248] : memref<100000xf32, #tpu.memory_space<vmem>>[vector<16xi32>], vector<16xf32>,
          %parallel_loop3A_250 = arith.constant 6144 : i32
          %parallel_loop3A_251 = arith.subi %parallel_loop3A_246, %parallel_loop3A_250 : i32
          %parallel_loop3A_252 = arith.index_cast %parallel_loop3A_251 : i32 to index
          %parallel_loop3A_253 = tpu.vector_load %arg8[%parallel_loop3A_252] {strides = array<i32>} : memref<2048xf32, #tpu.memory_space<vmem>>, vector<16xf32>,
          tpu.vector_store %arg8[%parallel_loop3A_252], %parallel_loop3A_249 {strides = array<i32>} : memref<2048xf32, #tpu.memory_space<vmem>>, vector<16xf32>,
        } {sc.loop_unroll_factor = 16 : i64, sc.parallel_access}
        %dma_start3A_168 = arith.constant 6144 : i32
        %dma_start3A_169 = tpu.memref_slice %arg4[%add3A_128, %dma_start3A_168] : memref<624x16384xf32, #tpu.memory_space<hbm>> -> memref<1x2048xf32, #tpu.memory_space<hbm>>
        %dma_start3A_170 = tpu.memref_squeeze %dma_start3A_169 : memref<1x2048xf32, #tpu.memory_space<hbm>> -> memref<2048xf32, #tpu.memory_space<hbm>>
        %dma_start3A_171 = arith.constant 6144 : i32
        %dma_start3A_172 = tpu.memref_slice %arg4[%add3A_128, %dma_start3A_171] : memref<624x16384xf32, #tpu.memory_space<hbm>> -> memref<1x2048xf32, #tpu.memory_space<hbm>>
        %dma_start3A_173 = tpu.memref_squeeze %dma_start3A_172 : memref<1x2048xf32, #tpu.memory_space<hbm>> -> memref<2048xf32, #tpu.memory_space<hbm>>
        tpu.enqueue_dma source(%arg8 : memref<2048xf32, #tpu.memory_space<vmem>>) target(%dma_start3A_173 : memref<2048xf32, #tpu.memory_space<hbm>>) target_semaphore(%arg10 : memref<!tpu.dma_semaphore, #tpu.memory_space<semaphore_mem>>)
        %dma_wait3A_174 = arith.constant 4096 : i32
        %dma_wait3A_175 = tpu.memref_slice %arg4[%add3A_128, %dma_wait3A_174] : memref<624x16384xf32, #tpu.memory_space<hbm>> -> memref<1x2048xf32, #tpu.memory_space<hbm>>
        %dma_wait3A_176 = tpu.memref_squeeze %dma_wait3A_175 : memref<1x2048xf32, #tpu.memory_space<hbm>> -> memref<2048xf32, #tpu.memory_space<hbm>>
        %dma_wait3A_177 = arith.constant 4096 : i32
        %dma_wait3A_178 = tpu.memref_slice %arg4[%add3A_128, %dma_wait3A_177] : memref<624x16384xf32, #tpu.memory_space<hbm>> -> memref<1x2048xf32, #tpu.memory_space<hbm>>
        %dma_wait3A_179 = tpu.memref_squeeze %dma_wait3A_178 : memref<1x2048xf32, #tpu.memory_space<hbm>> -> memref<2048xf32, #tpu.memory_space<hbm>>
        tpu.wait_dma2 semaphore(%arg9 : memref<!tpu.dma_semaphore, #tpu.memory_space<semaphore_mem>>) src(%arg7 : memref<2048xf32, #tpu.memory_space<vmem>>) dst(%dma_wait3A_179 : memref<2048xf32, #tpu.memory_space<hbm>>)
        %parallel_loop3A_180 = arith.constant 8192 : i32
        %parallel_loop3A_181 = arith.constant 10240 : i32
        %parallel_loop3A_182 = arith.constant 16 : i32
        scf.for %parallel_loop3A_246 = %parallel_loop3A_180 to %parallel_loop3A_181 step %parallel_loop3A_182  : i32 {
          %parallel_loop3A_247 = arith.index_cast %parallel_loop3A_246 : i32 to index
          %parallel_loop3A_248 = tpu.vector_load %arg6[%parallel_loop3A_247] {strides = array<i32>} : memref<16384xi32, #tpu.memory_space<vmem>>, vector<16xi32>,
          %parallel_loop3A_249 = tpu.vector_load_idx %arg5[%parallel_loop3A_248] : memref<100000xf32, #tpu.memory_space<vmem>>[vector<16xi32>], vector<16xf32>,
          %parallel_loop3A_250 = arith.constant 8192 : i32
          %parallel_loop3A_251 = arith.subi %parallel_loop3A_246, %parallel_loop3A_250 : i32
          %parallel_loop3A_252 = arith.index_cast %parallel_loop3A_251 : i32 to index
          %parallel_loop3A_253 = tpu.vector_load %arg7[%parallel_loop3A_252] {strides = array<i32>} : memref<2048xf32, #tpu.memory_space<vmem>>, vector<16xf32>,
          tpu.vector_store %arg7[%parallel_loop3A_252], %parallel_loop3A_249 {strides = array<i32>} : memref<2048xf32, #tpu.memory_space<vmem>>, vector<16xf32>,
        } {sc.loop_unroll_factor = 16 : i64, sc.parallel_access}
        %dma_start3A_183 = arith.constant 8192 : i32
        %dma_start3A_184 = tpu.memref_slice %arg4[%add3A_128, %dma_start3A_183] : memref<624x16384xf32, #tpu.memory_space<hbm>> -> memref<1x2048xf32, #tpu.memory_space<hbm>>
        %dma_start3A_185 = tpu.memref_squeeze %dma_start3A_184 : memref<1x2048xf32, #tpu.memory_space<hbm>> -> memref<2048xf32, #tpu.memory_space<hbm>>
        %dma_start3A_186 = arith.constant 8192 : i32
        %dma_start3A_187 = tpu.memref_slice %arg4[%add3A_128, %dma_start3A_186] : memref<624x16384xf32, #tpu.memory_space<hbm>> -> memref<1x2048xf32, #tpu.memory_space<hbm>>
        %dma_start3A_188 = tpu.memref_squeeze %dma_start3A_187 : memref<1x2048xf32, #tpu.memory_space<hbm>> -> memref<2048xf32, #tpu.memory_space<hbm>>
        tpu.enqueue_dma source(%arg7 : memref<2048xf32, #tpu.memory_space<vmem>>) target(%dma_start3A_188 : memref<2048xf32, #tpu.memory_space<hbm>>) target_semaphore(%arg9 : memref<!tpu.dma_semaphore, #tpu.memory_space<semaphore_mem>>)
        %dma_wait3A_189 = arith.constant 6144 : i32
        %dma_wait3A_190 = tpu.memref_slice %arg4[%add3A_128, %dma_wait3A_189] : memref<624x16384xf32, #tpu.memory_space<hbm>> -> memref<1x2048xf32, #tpu.memory_space<hbm>>
        %dma_wait3A_191 = tpu.memref_squeeze %dma_wait3A_190 : memref<1x2048xf32, #tpu.memory_space<hbm>> -> memref<2048xf32, #tpu.memory_space<hbm>>
        %dma_wait3A_192 = arith.constant 6144 : i32
        %dma_wait3A_193 = tpu.memref_slice %arg4[%add3A_128, %dma_wait3A_192] : memref<624x16384xf32, #tpu.memory_space<hbm>> -> memref<1x2048xf32, #tpu.memory_space<hbm>>
        %dma_wait3A_194 = tpu.memref_squeeze %dma_wait3A_193 : memref<1x2048xf32, #tpu.memory_space<hbm>> -> memref<2048xf32, #tpu.memory_space<hbm>>
        tpu.wait_dma2 semaphore(%arg10 : memref<!tpu.dma_semaphore, #tpu.memory_space<semaphore_mem>>) src(%arg8 : memref<2048xf32, #tpu.memory_space<vmem>>) dst(%dma_wait3A_194 : memref<2048xf32, #tpu.memory_space<hbm>>)
        %parallel_loop3A_195 = arith.constant 10240 : i32
        %parallel_loop3A_196 = arith.constant 12288 : i32
        %parallel_loop3A_197 = arith.constant 16 : i32
        scf.for %parallel_loop3A_246 = %parallel_loop3A_195 to %parallel_loop3A_196 step %parallel_loop3A_197  : i32 {
          %parallel_loop3A_247 = arith.index_cast %parallel_loop3A_246 : i32 to index
          %parallel_loop3A_248 = tpu.vector_load %arg6[%parallel_loop3A_247] {strides = array<i32>} : memref<16384xi32, #tpu.memory_space<vmem>>, vector<16xi32>,
          %parallel_loop3A_249 = tpu.vector_load_idx %arg5[%parallel_loop3A_248] : memref<100000xf32, #tpu.memory_space<vmem>>[vector<16xi32>], vector<16xf32>,
          %parallel_loop3A_250 = arith.constant 10240 : i32
          %parallel_loop3A_251 = arith.subi %parallel_loop3A_246, %parallel_loop3A_250 : i32
          %parallel_loop3A_252 = arith.index_cast %parallel_loop3A_251 : i32 to index
          %parallel_loop3A_253 = tpu.vector_load %arg8[%parallel_loop3A_252] {strides = array<i32>} : memref<2048xf32, #tpu.memory_space<vmem>>, vector<16xf32>,
          tpu.vector_store %arg8[%parallel_loop3A_252], %parallel_loop3A_249 {strides = array<i32>} : memref<2048xf32, #tpu.memory_space<vmem>>, vector<16xf32>,
        } {sc.loop_unroll_factor = 16 : i64, sc.parallel_access}
        %dma_start3A_198 = arith.constant 10240 : i32
        %dma_start3A_199 = tpu.memref_slice %arg4[%add3A_128, %dma_start3A_198] : memref<624x16384xf32, #tpu.memory_space<hbm>> -> memref<1x2048xf32, #tpu.memory_space<hbm>>
        %dma_start3A_200 = tpu.memref_squeeze %dma_start3A_199 : memref<1x2048xf32, #tpu.memory_space<hbm>> -> memref<2048xf32, #tpu.memory_space<hbm>>
        %dma_start3A_201 = arith.constant 10240 : i32
        %dma_start3A_202 = tpu.memref_slice %arg4[%add3A_128, %dma_start3A_201] : memref<624x16384xf32, #tpu.memory_space<hbm>> -> memref<1x2048xf32, #tpu.memory_space<hbm>>
        %dma_start3A_203 = tpu.memref_squeeze %dma_start3A_202 : memref<1x2048xf32, #tpu.memory_space<hbm>> -> memref<2048xf32, #tpu.memory_space<hbm>>
        tpu.enqueue_dma source(%arg8 : memref<2048xf32, #tpu.memory_space<vmem>>) target(%dma_start3A_203 : memref<2048xf32, #tpu.memory_space<hbm>>) target_semaphore(%arg10 : memref<!tpu.dma_semaphore, #tpu.memory_space<semaphore_mem>>)
        %dma_wait3A_204 = arith.constant 8192 : i32
        %dma_wait3A_205 = tpu.memref_slice %arg4[%add3A_128, %dma_wait3A_204] : memref<624x16384xf32, #tpu.memory_space<hbm>> -> memref<1x2048xf32, #tpu.memory_space<hbm>>
        %dma_wait3A_206 = tpu.memref_squeeze %dma_wait3A_205 : memref<1x2048xf32, #tpu.memory_space<hbm>> -> memref<2048xf32, #tpu.memory_space<hbm>>
        %dma_wait3A_207 = arith.constant 8192 : i32
        %dma_wait3A_208 = tpu.memref_slice %arg4[%add3A_128, %dma_wait3A_207] : memref<624x16384xf32, #tpu.memory_space<hbm>> -> memref<1x2048xf32, #tpu.memory_space<hbm>>
        %dma_wait3A_209 = tpu.memref_squeeze %dma_wait3A_208 : memref<1x2048xf32, #tpu.memory_space<hbm>> -> memref<2048xf32, #tpu.memory_space<hbm>>
        tpu.wait_dma2 semaphore(%arg9 : memref<!tpu.dma_semaphore, #tpu.memory_space<semaphore_mem>>) src(%arg7 : memref<2048xf32, #tpu.memory_space<vmem>>) dst(%dma_wait3A_209 : memref<2048xf32, #tpu.memory_space<hbm>>)
        %parallel_loop3A_210 = arith.constant 12288 : i32
        %parallel_loop3A_211 = arith.constant 14336 : i32
        %parallel_loop3A_212 = arith.constant 16 : i32
        scf.for %parallel_loop3A_246 = %parallel_loop3A_210 to %parallel_loop3A_211 step %parallel_loop3A_212  : i32 {
          %parallel_loop3A_247 = arith.index_cast %parallel_loop3A_246 : i32 to index
          %parallel_loop3A_248 = tpu.vector_load %arg6[%parallel_loop3A_247] {strides = array<i32>} : memref<16384xi32, #tpu.memory_space<vmem>>, vector<16xi32>,
          %parallel_loop3A_249 = tpu.vector_load_idx %arg5[%parallel_loop3A_248] : memref<100000xf32, #tpu.memory_space<vmem>>[vector<16xi32>], vector<16xf32>,
          %parallel_loop3A_250 = arith.constant 12288 : i32
          %parallel_loop3A_251 = arith.subi %parallel_loop3A_246, %parallel_loop3A_250 : i32
          %parallel_loop3A_252 = arith.index_cast %parallel_loop3A_251 : i32 to index
          %parallel_loop3A_253 = tpu.vector_load %arg7[%parallel_loop3A_252] {strides = array<i32>} : memref<2048xf32, #tpu.memory_space<vmem>>, vector<16xf32>,
          tpu.vector_store %arg7[%parallel_loop3A_252], %parallel_loop3A_249 {strides = array<i32>} : memref<2048xf32, #tpu.memory_space<vmem>>, vector<16xf32>,
        } {sc.loop_unroll_factor = 16 : i64, sc.parallel_access}
        %dma_start3A_213 = arith.constant 12288 : i32
        %dma_start3A_214 = tpu.memref_slice %arg4[%add3A_128, %dma_start3A_213] : memref<624x16384xf32, #tpu.memory_space<hbm>> -> memref<1x2048xf32, #tpu.memory_space<hbm>>
        %dma_start3A_215 = tpu.memref_squeeze %dma_start3A_214 : memref<1x2048xf32, #tpu.memory_space<hbm>> -> memref<2048xf32, #tpu.memory_space<hbm>>
        %dma_start3A_216 = arith.constant 12288 : i32
        %dma_start3A_217 = tpu.memref_slice %arg4[%add3A_128, %dma_start3A_216] : memref<624x16384xf32, #tpu.memory_space<hbm>> -> memref<1x2048xf32, #tpu.memory_space<hbm>>
        %dma_start3A_218 = tpu.memref_squeeze %dma_start3A_217 : memref<1x2048xf32, #tpu.memory_space<hbm>> -> memref<2048xf32, #tpu.memory_space<hbm>>
        tpu.enqueue_dma source(%arg7 : memref<2048xf32, #tpu.memory_space<vmem>>) target(%dma_start3A_218 : memref<2048xf32, #tpu.memory_space<hbm>>) target_semaphore(%arg9 : memref<!tpu.dma_semaphore, #tpu.memory_space<semaphore_mem>>)
        %dma_wait3A_219 = arith.constant 10240 : i32
        %dma_wait3A_220 = tpu.memref_slice %arg4[%add3A_128, %dma_wait3A_219] : memref<624x16384xf32, #tpu.memory_space<hbm>> -> memref<1x2048xf32, #tpu.memory_space<hbm>>
        %dma_wait3A_221 = tpu.memref_squeeze %dma_wait3A_220 : memref<1x2048xf32, #tpu.memory_space<hbm>> -> memref<2048xf32, #tpu.memory_space<hbm>>
        %dma_wait3A_222 = arith.constant 10240 : i32
        %dma_wait3A_223 = tpu.memref_slice %arg4[%add3A_128, %dma_wait3A_222] : memref<624x16384xf32, #tpu.memory_space<hbm>> -> memref<1x2048xf32, #tpu.memory_space<hbm>>
        %dma_wait3A_224 = tpu.memref_squeeze %dma_wait3A_223 : memref<1x2048xf32, #tpu.memory_space<hbm>> -> memref<2048xf32, #tpu.memory_space<hbm>>
        tpu.wait_dma2 semaphore(%arg10 : memref<!tpu.dma_semaphore, #tpu.memory_space<semaphore_mem>>) src(%arg8 : memref<2048xf32, #tpu.memory_space<vmem>>) dst(%dma_wait3A_224 : memref<2048xf32, #tpu.memory_space<hbm>>)
        %parallel_loop3A_225 = arith.constant 14336 : i32
        %parallel_loop3A_226 = arith.constant 16384 : i32
        %parallel_loop3A_227 = arith.constant 16 : i32
        scf.for %parallel_loop3A_246 = %parallel_loop3A_225 to %parallel_loop3A_226 step %parallel_loop3A_227  : i32 {
          %parallel_loop3A_247 = arith.index_cast %parallel_loop3A_246 : i32 to index
          %parallel_loop3A_248 = tpu.vector_load %arg6[%parallel_loop3A_247] {strides = array<i32>} : memref<16384xi32, #tpu.memory_space<vmem>>, vector<16xi32>,
          %parallel_loop3A_249 = tpu.vector_load_idx %arg5[%parallel_loop3A_248] : memref<100000xf32, #tpu.memory_space<vmem>>[vector<16xi32>], vector<16xf32>,
          %parallel_loop3A_250 = arith.constant 14336 : i32
          %parallel_loop3A_251 = arith.subi %parallel_loop3A_246, %parallel_loop3A_250 : i32
          %parallel_loop3A_252 = arith.index_cast %parallel_loop3A_251 : i32 to index
          %parallel_loop3A_253 = tpu.vector_load %arg8[%parallel_loop3A_252] {strides = array<i32>} : memref<2048xf32, #tpu.memory_space<vmem>>, vector<16xf32>,
          tpu.vector_store %arg8[%parallel_loop3A_252], %parallel_loop3A_249 {strides = array<i32>} : memref<2048xf32, #tpu.memory_space<vmem>>, vector<16xf32>,
        } {sc.loop_unroll_factor = 16 : i64, sc.parallel_access}
        %dma_start3A_228 = arith.constant 14336 : i32
        %dma_start3A_229 = tpu.memref_slice %arg4[%add3A_128, %dma_start3A_228] : memref<624x16384xf32, #tpu.memory_space<hbm>> -> memref<1x2048xf32, #tpu.memory_space<hbm>>
        %dma_start3A_230 = tpu.memref_squeeze %dma_start3A_229 : memref<1x2048xf32, #tpu.memory_space<hbm>> -> memref<2048xf32, #tpu.memory_space<hbm>>
        %dma_start3A_231 = arith.constant 14336 : i32
        %dma_start3A_232 = tpu.memref_slice %arg4[%add3A_128, %dma_start3A_231] : memref<624x16384xf32, #tpu.memory_space<hbm>> -> memref<1x2048xf32, #tpu.memory_space<hbm>>
        %dma_start3A_233 = tpu.memref_squeeze %dma_start3A_232 : memref<1x2048xf32, #tpu.memory_space<hbm>> -> memref<2048xf32, #tpu.memory_space<hbm>>
        tpu.enqueue_dma source(%arg8 : memref<2048xf32, #tpu.memory_space<vmem>>) target(%dma_start3A_233 : memref<2048xf32, #tpu.memory_space<hbm>>) target_semaphore(%arg10 : memref<!tpu.dma_semaphore, #tpu.memory_space<semaphore_mem>>)
        %dma_wait3A_234 = arith.constant 12288 : i32
        %dma_wait3A_235 = tpu.memref_slice %arg4[%add3A_128, %dma_wait3A_234] : memref<624x16384xf32, #tpu.memory_space<hbm>> -> memref<1x2048xf32, #tpu.memory_space<hbm>>
        %dma_wait3A_236 = tpu.memref_squeeze %dma_wait3A_235 : memref<1x2048xf32, #tpu.memory_space<hbm>> -> memref<2048xf32, #tpu.memory_space<hbm>>
        %dma_wait3A_237 = arith.constant 12288 : i32
        %dma_wait3A_238 = tpu.memref_slice %arg4[%add3A_128, %dma_wait3A_237] : memref<624x16384xf32, #tpu.memory_space<hbm>> -> memref<1x2048xf32, #tpu.memory_space<hbm>>
        %dma_wait3A_239 = tpu.memref_squeeze %dma_wait3A_238 : memref<1x2048xf32, #tpu.memory_space<hbm>> -> memref<2048xf32, #tpu.memory_space<hbm>>
        tpu.wait_dma2 semaphore(%arg9 : memref<!tpu.dma_semaphore, #tpu.memory_space<semaphore_mem>>) src(%arg7 : memref<2048xf32, #tpu.memory_space<vmem>>) dst(%dma_wait3A_239 : memref<2048xf32, #tpu.memory_space<hbm>>)
        %dma_wait3A_240 = arith.constant 14336 : i32
        %dma_wait3A_241 = tpu.memref_slice %arg4[%add3A_128, %dma_wait3A_240] : memref<624x16384xf32, #tpu.memory_space<hbm>> -> memref<1x2048xf32, #tpu.memory_space<hbm>>
        %dma_wait3A_242 = tpu.memref_squeeze %dma_wait3A_241 : memref<1x2048xf32, #tpu.memory_space<hbm>> -> memref<2048xf32, #tpu.memory_space<hbm>>
        %dma_wait3A_243 = arith.constant 14336 : i32
        %dma_wait3A_244 = tpu.memref_slice %arg4[%add3A_128, %dma_wait3A_243] : memref<624x16384xf32, #tpu.memory_space<hbm>> -> memref<1x2048xf32, #tpu.memory_space<hbm>>
        %dma_wait3A_245 = tpu.memref_squeeze %dma_wait3A_244 : memref<1x2048xf32, #tpu.memory_space<hbm>> -> memref<2048xf32, #tpu.memory_space<hbm>>
        tpu.wait_dma2 semaphore(%arg10 : memref<!tpu.dma_semaphore, #tpu.memory_space<semaphore_mem>>) src(%arg8 : memref<2048xf32, #tpu.memory_space<vmem>>) dst(%dma_wait3A_245 : memref<2048xf32, #tpu.memory_space<hbm>>)
      }
      %while3A_124 = arith.constant 1 : i32
      scf.for %while3A_125 = %while3A_122 to %while3A_118 step %while3A_124  : i32 {
        %mul3A_126 = arith.constant 24 : i32
        %mul3A_127 = arith.muli %while3A_107, %mul3A_126 : i32
        %add3A_128 = arith.addi %mul3A_127, %while3A_125 : i32
        "tpu.region"() ({
          %run_scoped3A = tpu.sem_alloc : memref<!tpu.dma_semaphore, #tpu.memory_space<semaphore_mem>>
          %dma_start3A_246 = arith.constant 0 : i32
          %dma_start3A_247 = tpu.memref_slice %arg2[%while3A_107, %while3A_125, %dma_start3A_246] : memref<26x24x100000xf32, #tpu.memory_space<hbm>> -> memref<1x1x100000xf32, #tpu.memory_space<hbm>>
          %dma_start3A_248 = tpu.memref_squeeze %dma_start3A_247 : memref<1x1x100000xf32, #tpu.memory_space<hbm>> -> memref<100000xf32, #tpu.memory_space<hbm>>
          %dma_start3A_249 = arith.constant 0 : i32
          %dma_start3A_250 = tpu.memref_slice %arg2[%while3A_107, %while3A_125, %dma_start3A_249] : memref<26x24x100000xf32, #tpu.memory_space<hbm>> -> memref<1x1x100000xf32, #tpu.memory_space<hbm>>
          %dma_start3A_251 = tpu.memref_squeeze %dma_start3A_250 : memref<1x1x100000xf32, #tpu.memory_space<hbm>> -> memref<100000xf32, #tpu.memory_space<hbm>>
          tpu.enqueue_dma source(%dma_start3A_251 : memref<100000xf32, #tpu.memory_space<hbm>>) target(%arg5 : memref<100000xf32, #tpu.memory_space<vmem>>) target_semaphore(%run_scoped3A : memref<!tpu.dma_semaphore, #tpu.memory_space<semaphore_mem>>)
          %dma_wait3A_252 = arith.constant 0 : i32
          %dma_wait3A_253 = tpu.memref_slice %arg2[%while3A_107, %while3A_125, %dma_wait3A_252] : memref<26x24x100000xf32, #tpu.memory_space<hbm>> -> memref<1x1x100000xf32, #tpu.memory_space<hbm>>
          %dma_wait3A_254 = tpu.memref_squeeze %dma_wait3A_253 : memref<1x1x100000xf32, #tpu.memory_space<hbm>> -> memref<100000xf32, #tpu.memory_space<hbm>>
          %dma_wait3A_255 = arith.constant 0 : i32
          %dma_wait3A_256 = tpu.memref_slice %arg2[%while3A_107, %while3A_125, %dma_wait3A_255] : memref<26x24x100000xf32, #tpu.memory_space<hbm>> -> memref<1x1x100000xf32, #tpu.memory_space<hbm>>
          %dma_wait3A_257 = tpu.memref_squeeze %dma_wait3A_256 : memref<1x1x100000xf32, #tpu.memory_space<hbm>> -> memref<100000xf32, #tpu.memory_space<hbm>>
          tpu.wait_dma2 semaphore(%run_scoped3A : memref<!tpu.dma_semaphore, #tpu.memory_space<semaphore_mem>>) src(%dma_wait3A_257 : memref<100000xf32, #tpu.memory_space<hbm>>) dst(%arg5 : memref<100000xf32, #tpu.memory_space<vmem>>)
          tpu.yield
        }) : () -> ()
        %parallel_loop3A = arith.constant 0 : i32
        %parallel_loop3A_129 = arith.constant 2048 : i32
        %parallel_loop3A_130 = arith.constant 16 : i32
        scf.for %parallel_loop3A_246 = %parallel_loop3A to %parallel_loop3A_129 step %parallel_loop3A_130  : i32 {
          %parallel_loop3A_247 = arith.index_cast %parallel_loop3A_246 : i32 to index
          %parallel_loop3A_248 = tpu.vector_load %arg6[%parallel_loop3A_247] {strides = array<i32>} : memref<16384xi32, #tpu.memory_space<vmem>>, vector<16xi32>,
          %parallel_loop3A_249 = tpu.vector_load_idx %arg5[%parallel_loop3A_248] : memref<100000xf32, #tpu.memory_space<vmem>>[vector<16xi32>], vector<16xf32>,
          %parallel_loop3A_250 = arith.constant 0 : i32
          %parallel_loop3A_251 = arith.subi %parallel_loop3A_246, %parallel_loop3A_250 : i32
          %parallel_loop3A_252 = arith.index_cast %parallel_loop3A_251 : i32 to index
          %parallel_loop3A_253 = tpu.vector_load %arg7[%parallel_loop3A_252] {strides = array<i32>} : memref<2048xf32, #tpu.memory_space<vmem>>, vector<16xf32>,
          tpu.vector_store %arg7[%parallel_loop3A_252], %parallel_loop3A_249 {strides = array<i32>} : memref<2048xf32, #tpu.memory_space<vmem>>, vector<16xf32>,
        } {sc.loop_unroll_factor = 16 : i64, sc.parallel_access}
        %dma_start3A = arith.constant 0 : i32
        %dma_start3A_131 = tpu.memref_slice %arg4[%add3A_128, %dma_start3A] : memref<624x16384xf32, #tpu.memory_space<hbm>> -> memref<1x2048xf32, #tpu.memory_space<hbm>>
        %dma_start3A_132 = tpu.memref_squeeze %dma_start3A_131 : memref<1x2048xf32, #tpu.memory_space<hbm>> -> memref<2048xf32, #tpu.memory_space<hbm>>
        %dma_start3A_133 = arith.constant 0 : i32
        %dma_start3A_134 = tpu.memref_slice %arg4[%add3A_128, %dma_start3A_133] : memref<624x16384xf32, #tpu.memory_space<hbm>> -> memref<1x2048xf32, #tpu.memory_space<hbm>>
        %dma_start3A_135 = tpu.memref_squeeze %dma_start3A_134 : memref<1x2048xf32, #tpu.memory_space<hbm>> -> memref<2048xf32, #tpu.memory_space<hbm>>
        tpu.enqueue_dma source(%arg7 : memref<2048xf32, #tpu.memory_space<vmem>>) target(%dma_start3A_135 : memref<2048xf32, #tpu.memory_space<hbm>>) target_semaphore(%arg9 : memref<!tpu.dma_semaphore, #tpu.memory_space<semaphore_mem>>)
        %parallel_loop3A_136 = arith.constant 2048 : i32
        %parallel_loop3A_137 = arith.constant 4096 : i32
        %parallel_loop3A_138 = arith.constant 16 : i32
        scf.for %parallel_loop3A_246 = %parallel_loop3A_136 to %parallel_loop3A_137 step %parallel_loop3A_138  : i32 {
          %parallel_loop3A_247 = arith.index_cast %parallel_loop3A_246 : i32 to index
          %parallel_loop3A_248 = tpu.vector_load %arg6[%parallel_loop3A_247] {strides = array<i32>} : memref<16384xi32, #tpu.memory_space<vmem>>, vector<16xi32>,
          %parallel_loop3A_249 = tpu.vector_load_idx %arg5[%parallel_loop3A_248] : memref<100000xf32, #tpu.memory_space<vmem>>[vector<16xi32>], vector<16xf32>,
          %parallel_loop3A_250 = arith.constant 2048 : i32
          %parallel_loop3A_251 = arith.subi %parallel_loop3A_246, %parallel_loop3A_250 : i32
          %parallel_loop3A_252 = arith.index_cast %parallel_loop3A_251 : i32 to index
          %parallel_loop3A_253 = tpu.vector_load %arg8[%parallel_loop3A_252] {strides = array<i32>} : memref<2048xf32, #tpu.memory_space<vmem>>, vector<16xf32>,
          tpu.vector_store %arg8[%parallel_loop3A_252], %parallel_loop3A_249 {strides = array<i32>} : memref<2048xf32, #tpu.memory_space<vmem>>, vector<16xf32>,
        } {sc.loop_unroll_factor = 16 : i64, sc.parallel_access}
        %dma_start3A_139 = arith.constant 2048 : i32
        %dma_start3A_140 = tpu.memref_slice %arg4[%add3A_128, %dma_start3A_139] : memref<624x16384xf32, #tpu.memory_space<hbm>> -> memref<1x2048xf32, #tpu.memory_space<hbm>>
        %dma_start3A_141 = tpu.memref_squeeze %dma_start3A_140 : memref<1x2048xf32, #tpu.memory_space<hbm>> -> memref<2048xf32, #tpu.memory_space<hbm>>
        %dma_start3A_142 = arith.constant 2048 : i32
        %dma_start3A_143 = tpu.memref_slice %arg4[%add3A_128, %dma_start3A_142] : memref<624x16384xf32, #tpu.memory_space<hbm>> -> memref<1x2048xf32, #tpu.memory_space<hbm>>
        %dma_start3A_144 = tpu.memref_squeeze %dma_start3A_143 : memref<1x2048xf32, #tpu.memory_space<hbm>> -> memref<2048xf32, #tpu.memory_space<hbm>>
        tpu.enqueue_dma source(%arg8 : memref<2048xf32, #tpu.memory_space<vmem>>) target(%dma_start3A_144 : memref<2048xf32, #tpu.memory_space<hbm>>) target_semaphore(%arg10 : memref<!tpu.dma_semaphore, #tpu.memory_space<semaphore_mem>>)
        %dma_wait3A = arith.constant 0 : i32
        %dma_wait3A_145 = tpu.memref_slice %arg4[%add3A_128, %dma_wait3A] : memref<624x16384xf32, #tpu.memory_space<hbm>> -> memref<1x2048xf32, #tpu.memory_space<hbm>>
        %dma_wait3A_146 = tpu.memref_squeeze %dma_wait3A_145 : memref<1x2048xf32, #tpu.memory_space<hbm>> -> memref<2048xf32, #tpu.memory_space<hbm>>
        %dma_wait3A_147 = arith.constant 0 : i32
        %dma_wait3A_148 = tpu.memref_slice %arg4[%add3A_128, %dma_wait3A_147] : memref<624x16384xf32, #tpu.memory_space<hbm>> -> memref<1x2048xf32, #tpu.memory_space<hbm>>
        %dma_wait3A_149 = tpu.memref_squeeze %dma_wait3A_148 : memref<1x2048xf32, #tpu.memory_space<hbm>> -> memref<2048xf32, #tpu.memory_space<hbm>>
        tpu.wait_dma2 semaphore(%arg9 : memref<!tpu.dma_semaphore, #tpu.memory_space<semaphore_mem>>) src(%arg7 : memref<2048xf32, #tpu.memory_space<vmem>>) dst(%dma_wait3A_149 : memref<2048xf32, #tpu.memory_space<hbm>>)
        %parallel_loop3A_150 = arith.constant 4096 : i32
        %parallel_loop3A_151 = arith.constant 6144 : i32
        %parallel_loop3A_152 = arith.constant 16 : i32
        scf.for %parallel_loop3A_246 = %parallel_loop3A_150 to %parallel_loop3A_151 step %parallel_loop3A_152  : i32 {
          %parallel_loop3A_247 = arith.index_cast %parallel_loop3A_246 : i32 to index
          %parallel_loop3A_248 = tpu.vector_load %arg6[%parallel_loop3A_247] {strides = array<i32>} : memref<16384xi32, #tpu.memory_space<vmem>>, vector<16xi32>,
          %parallel_loop3A_249 = tpu.vector_load_idx %arg5[%parallel_loop3A_248] : memref<100000xf32, #tpu.memory_space<vmem>>[vector<16xi32>], vector<16xf32>,
          %parallel_loop3A_250 = arith.constant 4096 : i32
          %parallel_loop3A_251 = arith.subi %parallel_loop3A_246, %parallel_loop3A_250 : i32
          %parallel_loop3A_252 = arith.index_cast %parallel_loop3A_251 : i32 to index
          %parallel_loop3A_253 = tpu.vector_load %arg7[%parallel_loop3A_252] {strides = array<i32>} : memref<2048xf32, #tpu.memory_space<vmem>>, vector<16xf32>,
          tpu.vector_store %arg7[%parallel_loop3A_252], %parallel_loop3A_249 {strides = array<i32>} : memref<2048xf32, #tpu.memory_space<vmem>>, vector<16xf32>,
        } {sc.loop_unroll_factor = 16 : i64, sc.parallel_access}
        %dma_start3A_153 = arith.constant 4096 : i32
        %dma_start3A_154 = tpu.memref_slice %arg4[%add3A_128, %dma_start3A_153] : memref<624x16384xf32, #tpu.memory_space<hbm>> -> memref<1x2048xf32, #tpu.memory_space<hbm>>
        %dma_start3A_155 = tpu.memref_squeeze %dma_start3A_154 : memref<1x2048xf32, #tpu.memory_space<hbm>> -> memref<2048xf32, #tpu.memory_space<hbm>>
        %dma_start3A_156 = arith.constant 4096 : i32
        %dma_start3A_157 = tpu.memref_slice %arg4[%add3A_128, %dma_start3A_156] : memref<624x16384xf32, #tpu.memory_space<hbm>> -> memref<1x2048xf32, #tpu.memory_space<hbm>>
        %dma_start3A_158 = tpu.memref_squeeze %dma_start3A_157 : memref<1x2048xf32, #tpu.memory_space<hbm>> -> memref<2048xf32, #tpu.memory_space<hbm>>
        tpu.enqueue_dma source(%arg7 : memref<2048xf32, #tpu.memory_space<vmem>>) target(%dma_start3A_158 : memref<2048xf32, #tpu.memory_space<hbm>>) target_semaphore(%arg9 : memref<!tpu.dma_semaphore, #tpu.memory_space<semaphore_mem>>)
        %dma_wait3A_159 = arith.constant 2048 : i32
        %dma_wait3A_160 = tpu.memref_slice %arg4[%add3A_128, %dma_wait3A_159] : memref<624x16384xf32, #tpu.memory_space<hbm>> -> memref<1x2048xf32, #tpu.memory_space<hbm>>
        %dma_wait3A_161 = tpu.memref_squeeze %dma_wait3A_160 : memref<1x2048xf32, #tpu.memory_space<hbm>> -> memref<2048xf32, #tpu.memory_space<hbm>>
        %dma_wait3A_162 = arith.constant 2048 : i32
        %dma_wait3A_163 = tpu.memref_slice %arg4[%add3A_128, %dma_wait3A_162] : memref<624x16384xf32, #tpu.memory_space<hbm>> -> memref<1x2048xf32, #tpu.memory_space<hbm>>
        %dma_wait3A_164 = tpu.memref_squeeze %dma_wait3A_163 : memref<1x2048xf32, #tpu.memory_space<hbm>> -> memref<2048xf32, #tpu.memory_space<hbm>>
        tpu.wait_dma2 semaphore(%arg10 : memref<!tpu.dma_semaphore, #tpu.memory_space<semaphore_mem>>) src(%arg8 : memref<2048xf32, #tpu.memory_space<vmem>>) dst(%dma_wait3A_164 : memref<2048xf32, #tpu.memory_space<hbm>>)
        %parallel_loop3A_165 = arith.constant 6144 : i32
        %parallel_loop3A_166 = arith.constant 8192 : i32
        %parallel_loop3A_167 = arith.constant 16 : i32
        scf.for %parallel_loop3A_246 = %parallel_loop3A_165 to %parallel_loop3A_166 step %parallel_loop3A_167  : i32 {
          %parallel_loop3A_247 = arith.index_cast %parallel_loop3A_246 : i32 to index
          %parallel_loop3A_248 = tpu.vector_load %arg6[%parallel_loop3A_247] {strides = array<i32>} : memref<16384xi32, #tpu.memory_space<vmem>>, vector<16xi32>,
          %parallel_loop3A_249 = tpu.vector_load_idx %arg5[%parallel_loop3A_248] : memref<100000xf32, #tpu.memory_space<vmem>>[vector<16xi32>], vector<16xf32>,
          %parallel_loop3A_250 = arith.constant 6144 : i32
          %parallel_loop3A_251 = arith.subi %parallel_loop3A_246, %parallel_loop3A_250 : i32
          %parallel_loop3A_252 = arith.index_cast %parallel_loop3A_251 : i32 to index
          %parallel_loop3A_253 = tpu.vector_load %arg8[%parallel_loop3A_252] {strides = array<i32>} : memref<2048xf32, #tpu.memory_space<vmem>>, vector<16xf32>,
          tpu.vector_store %arg8[%parallel_loop3A_252], %parallel_loop3A_249 {strides = array<i32>} : memref<2048xf32, #tpu.memory_space<vmem>>, vector<16xf32>,
        } {sc.loop_unroll_factor = 16 : i64, sc.parallel_access}
        %dma_start3A_168 = arith.constant 6144 : i32
        %dma_start3A_169 = tpu.memref_slice %arg4[%add3A_128, %dma_start3A_168] : memref<624x16384xf32, #tpu.memory_space<hbm>> -> memref<1x2048xf32, #tpu.memory_space<hbm>>
        %dma_start3A_170 = tpu.memref_squeeze %dma_start3A_169 : memref<1x2048xf32, #tpu.memory_space<hbm>> -> memref<2048xf32, #tpu.memory_space<hbm>>
        %dma_start3A_171 = arith.constant 6144 : i32
        %dma_start3A_172 = tpu.memref_slice %arg4[%add3A_128, %dma_start3A_171] : memref<624x16384xf32, #tpu.memory_space<hbm>> -> memref<1x2048xf32, #tpu.memory_space<hbm>>
        %dma_start3A_173 = tpu.memref_squeeze %dma_start3A_172 : memref<1x2048xf32, #tpu.memory_space<hbm>> -> memref<2048xf32, #tpu.memory_space<hbm>>
        tpu.enqueue_dma source(%arg8 : memref<2048xf32, #tpu.memory_space<vmem>>) target(%dma_start3A_173 : memref<2048xf32, #tpu.memory_space<hbm>>) target_semaphore(%arg10 : memref<!tpu.dma_semaphore, #tpu.memory_space<semaphore_mem>>)
        %dma_wait3A_174 = arith.constant 4096 : i32
        %dma_wait3A_175 = tpu.memref_slice %arg4[%add3A_128, %dma_wait3A_174] : memref<624x16384xf32, #tpu.memory_space<hbm>> -> memref<1x2048xf32, #tpu.memory_space<hbm>>
        %dma_wait3A_176 = tpu.memref_squeeze %dma_wait3A_175 : memref<1x2048xf32, #tpu.memory_space<hbm>> -> memref<2048xf32, #tpu.memory_space<hbm>>
        %dma_wait3A_177 = arith.constant 4096 : i32
        %dma_wait3A_178 = tpu.memref_slice %arg4[%add3A_128, %dma_wait3A_177] : memref<624x16384xf32, #tpu.memory_space<hbm>> -> memref<1x2048xf32, #tpu.memory_space<hbm>>
        %dma_wait3A_179 = tpu.memref_squeeze %dma_wait3A_178 : memref<1x2048xf32, #tpu.memory_space<hbm>> -> memref<2048xf32, #tpu.memory_space<hbm>>
        tpu.wait_dma2 semaphore(%arg9 : memref<!tpu.dma_semaphore, #tpu.memory_space<semaphore_mem>>) src(%arg7 : memref<2048xf32, #tpu.memory_space<vmem>>) dst(%dma_wait3A_179 : memref<2048xf32, #tpu.memory_space<hbm>>)
        %parallel_loop3A_180 = arith.constant 8192 : i32
        %parallel_loop3A_181 = arith.constant 10240 : i32
        %parallel_loop3A_182 = arith.constant 16 : i32
        scf.for %parallel_loop3A_246 = %parallel_loop3A_180 to %parallel_loop3A_181 step %parallel_loop3A_182  : i32 {
          %parallel_loop3A_247 = arith.index_cast %parallel_loop3A_246 : i32 to index
          %parallel_loop3A_248 = tpu.vector_load %arg6[%parallel_loop3A_247] {strides = array<i32>} : memref<16384xi32, #tpu.memory_space<vmem>>, vector<16xi32>,
          %parallel_loop3A_249 = tpu.vector_load_idx %arg5[%parallel_loop3A_248] : memref<100000xf32, #tpu.memory_space<vmem>>[vector<16xi32>], vector<16xf32>,
          %parallel_loop3A_250 = arith.constant 8192 : i32
          %parallel_loop3A_251 = arith.subi %parallel_loop3A_246, %parallel_loop3A_250 : i32
          %parallel_loop3A_252 = arith.index_cast %parallel_loop3A_251 : i32 to index
          %parallel_loop3A_253 = tpu.vector_load %arg7[%parallel_loop3A_252] {strides = array<i32>} : memref<2048xf32, #tpu.memory_space<vmem>>, vector<16xf32>,
          tpu.vector_store %arg7[%parallel_loop3A_252], %parallel_loop3A_249 {strides = array<i32>} : memref<2048xf32, #tpu.memory_space<vmem>>, vector<16xf32>,
        } {sc.loop_unroll_factor = 16 : i64, sc.parallel_access}
        %dma_start3A_183 = arith.constant 8192 : i32
        %dma_start3A_184 = tpu.memref_slice %arg4[%add3A_128, %dma_start3A_183] : memref<624x16384xf32, #tpu.memory_space<hbm>> -> memref<1x2048xf32, #tpu.memory_space<hbm>>
        %dma_start3A_185 = tpu.memref_squeeze %dma_start3A_184 : memref<1x2048xf32, #tpu.memory_space<hbm>> -> memref<2048xf32, #tpu.memory_space<hbm>>
        %dma_start3A_186 = arith.constant 8192 : i32
        %dma_start3A_187 = tpu.memref_slice %arg4[%add3A_128, %dma_start3A_186] : memref<624x16384xf32, #tpu.memory_space<hbm>> -> memref<1x2048xf32, #tpu.memory_space<hbm>>
        %dma_start3A_188 = tpu.memref_squeeze %dma_start3A_187 : memref<1x2048xf32, #tpu.memory_space<hbm>> -> memref<2048xf32, #tpu.memory_space<hbm>>
        tpu.enqueue_dma source(%arg7 : memref<2048xf32, #tpu.memory_space<vmem>>) target(%dma_start3A_188 : memref<2048xf32, #tpu.memory_space<hbm>>) target_semaphore(%arg9 : memref<!tpu.dma_semaphore, #tpu.memory_space<semaphore_mem>>)
        %dma_wait3A_189 = arith.constant 6144 : i32
        %dma_wait3A_190 = tpu.memref_slice %arg4[%add3A_128, %dma_wait3A_189] : memref<624x16384xf32, #tpu.memory_space<hbm>> -> memref<1x2048xf32, #tpu.memory_space<hbm>>
        %dma_wait3A_191 = tpu.memref_squeeze %dma_wait3A_190 : memref<1x2048xf32, #tpu.memory_space<hbm>> -> memref<2048xf32, #tpu.memory_space<hbm>>
        %dma_wait3A_192 = arith.constant 6144 : i32
        %dma_wait3A_193 = tpu.memref_slice %arg4[%add3A_128, %dma_wait3A_192] : memref<624x16384xf32, #tpu.memory_space<hbm>> -> memref<1x2048xf32, #tpu.memory_space<hbm>>
        %dma_wait3A_194 = tpu.memref_squeeze %dma_wait3A_193 : memref<1x2048xf32, #tpu.memory_space<hbm>> -> memref<2048xf32, #tpu.memory_space<hbm>>
        tpu.wait_dma2 semaphore(%arg10 : memref<!tpu.dma_semaphore, #tpu.memory_space<semaphore_mem>>) src(%arg8 : memref<2048xf32, #tpu.memory_space<vmem>>) dst(%dma_wait3A_194 : memref<2048xf32, #tpu.memory_space<hbm>>)
        %parallel_loop3A_195 = arith.constant 10240 : i32
        %parallel_loop3A_196 = arith.constant 12288 : i32
        %parallel_loop3A_197 = arith.constant 16 : i32
        scf.for %parallel_loop3A_246 = %parallel_loop3A_195 to %parallel_loop3A_196 step %parallel_loop3A_197  : i32 {
          %parallel_loop3A_247 = arith.index_cast %parallel_loop3A_246 : i32 to index
          %parallel_loop3A_248 = tpu.vector_load %arg6[%parallel_loop3A_247] {strides = array<i32>} : memref<16384xi32, #tpu.memory_space<vmem>>, vector<16xi32>,
          %parallel_loop3A_249 = tpu.vector_load_idx %arg5[%parallel_loop3A_248] : memref<100000xf32, #tpu.memory_space<vmem>>[vector<16xi32>], vector<16xf32>,
          %parallel_loop3A_250 = arith.constant 10240 : i32
          %parallel_loop3A_251 = arith.subi %parallel_loop3A_246, %parallel_loop3A_250 : i32
          %parallel_loop3A_252 = arith.index_cast %parallel_loop3A_251 : i32 to index
          %parallel_loop3A_253 = tpu.vector_load %arg8[%parallel_loop3A_252] {strides = array<i32>} : memref<2048xf32, #tpu.memory_space<vmem>>, vector<16xf32>,
          tpu.vector_store %arg8[%parallel_loop3A_252], %parallel_loop3A_249 {strides = array<i32>} : memref<2048xf32, #tpu.memory_space<vmem>>, vector<16xf32>,
        } {sc.loop_unroll_factor = 16 : i64, sc.parallel_access}
        %dma_start3A_198 = arith.constant 10240 : i32
        %dma_start3A_199 = tpu.memref_slice %arg4[%add3A_128, %dma_start3A_198] : memref<624x16384xf32, #tpu.memory_space<hbm>> -> memref<1x2048xf32, #tpu.memory_space<hbm>>
        %dma_start3A_200 = tpu.memref_squeeze %dma_start3A_199 : memref<1x2048xf32, #tpu.memory_space<hbm>> -> memref<2048xf32, #tpu.memory_space<hbm>>
        %dma_start3A_201 = arith.constant 10240 : i32
        %dma_start3A_202 = tpu.memref_slice %arg4[%add3A_128, %dma_start3A_201] : memref<624x16384xf32, #tpu.memory_space<hbm>> -> memref<1x2048xf32, #tpu.memory_space<hbm>>
        %dma_start3A_203 = tpu.memref_squeeze %dma_start3A_202 : memref<1x2048xf32, #tpu.memory_space<hbm>> -> memref<2048xf32, #tpu.memory_space<hbm>>
        tpu.enqueue_dma source(%arg8 : memref<2048xf32, #tpu.memory_space<vmem>>) target(%dma_start3A_203 : memref<2048xf32, #tpu.memory_space<hbm>>) target_semaphore(%arg10 : memref<!tpu.dma_semaphore, #tpu.memory_space<semaphore_mem>>)
        %dma_wait3A_204 = arith.constant 8192 : i32
        %dma_wait3A_205 = tpu.memref_slice %arg4[%add3A_128, %dma_wait3A_204] : memref<624x16384xf32, #tpu.memory_space<hbm>> -> memref<1x2048xf32, #tpu.memory_space<hbm>>
        %dma_wait3A_206 = tpu.memref_squeeze %dma_wait3A_205 : memref<1x2048xf32, #tpu.memory_space<hbm>> -> memref<2048xf32, #tpu.memory_space<hbm>>
        %dma_wait3A_207 = arith.constant 8192 : i32
        %dma_wait3A_208 = tpu.memref_slice %arg4[%add3A_128, %dma_wait3A_207] : memref<624x16384xf32, #tpu.memory_space<hbm>> -> memref<1x2048xf32, #tpu.memory_space<hbm>>
        %dma_wait3A_209 = tpu.memref_squeeze %dma_wait3A_208 : memref<1x2048xf32, #tpu.memory_space<hbm>> -> memref<2048xf32, #tpu.memory_space<hbm>>
        tpu.wait_dma2 semaphore(%arg9 : memref<!tpu.dma_semaphore, #tpu.memory_space<semaphore_mem>>) src(%arg7 : memref<2048xf32, #tpu.memory_space<vmem>>) dst(%dma_wait3A_209 : memref<2048xf32, #tpu.memory_space<hbm>>)
        %parallel_loop3A_210 = arith.constant 12288 : i32
        %parallel_loop3A_211 = arith.constant 14336 : i32
        %parallel_loop3A_212 = arith.constant 16 : i32
        scf.for %parallel_loop3A_246 = %parallel_loop3A_210 to %parallel_loop3A_211 step %parallel_loop3A_212  : i32 {
          %parallel_loop3A_247 = arith.index_cast %parallel_loop3A_246 : i32 to index
          %parallel_loop3A_248 = tpu.vector_load %arg6[%parallel_loop3A_247] {strides = array<i32>} : memref<16384xi32, #tpu.memory_space<vmem>>, vector<16xi32>,
          %parallel_loop3A_249 = tpu.vector_load_idx %arg5[%parallel_loop3A_248] : memref<100000xf32, #tpu.memory_space<vmem>>[vector<16xi32>], vector<16xf32>,
          %parallel_loop3A_250 = arith.constant 12288 : i32
          %parallel_loop3A_251 = arith.subi %parallel_loop3A_246, %parallel_loop3A_250 : i32
          %parallel_loop3A_252 = arith.index_cast %parallel_loop3A_251 : i32 to index
          %parallel_loop3A_253 = tpu.vector_load %arg7[%parallel_loop3A_252] {strides = array<i32>} : memref<2048xf32, #tpu.memory_space<vmem>>, vector<16xf32>,
          tpu.vector_store %arg7[%parallel_loop3A_252], %parallel_loop3A_249 {strides = array<i32>} : memref<2048xf32, #tpu.memory_space<vmem>>, vector<16xf32>,
        } {sc.loop_unroll_factor = 16 : i64, sc.parallel_access}
        %dma_start3A_213 = arith.constant 12288 : i32
        %dma_start3A_214 = tpu.memref_slice %arg4[%add3A_128, %dma_start3A_213] : memref<624x16384xf32, #tpu.memory_space<hbm>> -> memref<1x2048xf32, #tpu.memory_space<hbm>>
        %dma_start3A_215 = tpu.memref_squeeze %dma_start3A_214 : memref<1x2048xf32, #tpu.memory_space<hbm>> -> memref<2048xf32, #tpu.memory_space<hbm>>
        %dma_start3A_216 = arith.constant 12288 : i32
        %dma_start3A_217 = tpu.memref_slice %arg4[%add3A_128, %dma_start3A_216] : memref<624x16384xf32, #tpu.memory_space<hbm>> -> memref<1x2048xf32, #tpu.memory_space<hbm>>
        %dma_start3A_218 = tpu.memref_squeeze %dma_start3A_217 : memref<1x2048xf32, #tpu.memory_space<hbm>> -> memref<2048xf32, #tpu.memory_space<hbm>>
        tpu.enqueue_dma source(%arg7 : memref<2048xf32, #tpu.memory_space<vmem>>) target(%dma_start3A_218 : memref<2048xf32, #tpu.memory_space<hbm>>) target_semaphore(%arg9 : memref<!tpu.dma_semaphore, #tpu.memory_space<semaphore_mem>>)
        %dma_wait3A_219 = arith.constant 10240 : i32
        %dma_wait3A_220 = tpu.memref_slice %arg4[%add3A_128, %dma_wait3A_219] : memref<624x16384xf32, #tpu.memory_space<hbm>> -> memref<1x2048xf32, #tpu.memory_space<hbm>>
        %dma_wait3A_221 = tpu.memref_squeeze %dma_wait3A_220 : memref<1x2048xf32, #tpu.memory_space<hbm>> -> memref<2048xf32, #tpu.memory_space<hbm>>
        %dma_wait3A_222 = arith.constant 10240 : i32
        %dma_wait3A_223 = tpu.memref_slice %arg4[%add3A_128, %dma_wait3A_222] : memref<624x16384xf32, #tpu.memory_space<hbm>> -> memref<1x2048xf32, #tpu.memory_space<hbm>>
        %dma_wait3A_224 = tpu.memref_squeeze %dma_wait3A_223 : memref<1x2048xf32, #tpu.memory_space<hbm>> -> memref<2048xf32, #tpu.memory_space<hbm>>
        tpu.wait_dma2 semaphore(%arg10 : memref<!tpu.dma_semaphore, #tpu.memory_space<semaphore_mem>>) src(%arg8 : memref<2048xf32, #tpu.memory_space<vmem>>) dst(%dma_wait3A_224 : memref<2048xf32, #tpu.memory_space<hbm>>)
        %parallel_loop3A_225 = arith.constant 14336 : i32
        %parallel_loop3A_226 = arith.constant 16384 : i32
        %parallel_loop3A_227 = arith.constant 16 : i32
        scf.for %parallel_loop3A_246 = %parallel_loop3A_225 to %parallel_loop3A_226 step %parallel_loop3A_227  : i32 {
          %parallel_loop3A_247 = arith.index_cast %parallel_loop3A_246 : i32 to index
          %parallel_loop3A_248 = tpu.vector_load %arg6[%parallel_loop3A_247] {strides = array<i32>} : memref<16384xi32, #tpu.memory_space<vmem>>, vector<16xi32>,
          %parallel_loop3A_249 = tpu.vector_load_idx %arg5[%parallel_loop3A_248] : memref<100000xf32, #tpu.memory_space<vmem>>[vector<16xi32>], vector<16xf32>,
          %parallel_loop3A_250 = arith.constant 14336 : i32
          %parallel_loop3A_251 = arith.subi %parallel_loop3A_246, %parallel_loop3A_250 : i32
          %parallel_loop3A_252 = arith.index_cast %parallel_loop3A_251 : i32 to index
          %parallel_loop3A_253 = tpu.vector_load %arg8[%parallel_loop3A_252] {strides = array<i32>} : memref<2048xf32, #tpu.memory_space<vmem>>, vector<16xf32>,
          tpu.vector_store %arg8[%parallel_loop3A_252], %parallel_loop3A_249 {strides = array<i32>} : memref<2048xf32, #tpu.memory_space<vmem>>, vector<16xf32>,
        } {sc.loop_unroll_factor = 16 : i64, sc.parallel_access}
        %dma_start3A_228 = arith.constant 14336 : i32
        %dma_start3A_229 = tpu.memref_slice %arg4[%add3A_128, %dma_start3A_228] : memref<624x16384xf32, #tpu.memory_space<hbm>> -> memref<1x2048xf32, #tpu.memory_space<hbm>>
        %dma_start3A_230 = tpu.memref_squeeze %dma_start3A_229 : memref<1x2048xf32, #tpu.memory_space<hbm>> -> memref<2048xf32, #tpu.memory_space<hbm>>
        %dma_start3A_231 = arith.constant 14336 : i32
        %dma_start3A_232 = tpu.memref_slice %arg4[%add3A_128, %dma_start3A_231] : memref<624x16384xf32, #tpu.memory_space<hbm>> -> memref<1x2048xf32, #tpu.memory_space<hbm>>
        %dma_start3A_233 = tpu.memref_squeeze %dma_start3A_232 : memref<1x2048xf32, #tpu.memory_space<hbm>> -> memref<2048xf32, #tpu.memory_space<hbm>>
        tpu.enqueue_dma source(%arg8 : memref<2048xf32, #tpu.memory_space<vmem>>) target(%dma_start3A_233 : memref<2048xf32, #tpu.memory_space<hbm>>) target_semaphore(%arg10 : memref<!tpu.dma_semaphore, #tpu.memory_space<semaphore_mem>>)
        %dma_wait3A_234 = arith.constant 12288 : i32
        %dma_wait3A_235 = tpu.memref_slice %arg4[%add3A_128, %dma_wait3A_234] : memref<624x16384xf32, #tpu.memory_space<hbm>> -> memref<1x2048xf32, #tpu.memory_space<hbm>>
        %dma_wait3A_236 = tpu.memref_squeeze %dma_wait3A_235 : memref<1x2048xf32, #tpu.memory_space<hbm>> -> memref<2048xf32, #tpu.memory_space<hbm>>
        %dma_wait3A_237 = arith.constant 12288 : i32
        %dma_wait3A_238 = tpu.memref_slice %arg4[%add3A_128, %dma_wait3A_237] : memref<624x16384xf32, #tpu.memory_space<hbm>> -> memref<1x2048xf32, #tpu.memory_space<hbm>>
        %dma_wait3A_239 = tpu.memref_squeeze %dma_wait3A_238 : memref<1x2048xf32, #tpu.memory_space<hbm>> -> memref<2048xf32, #tpu.memory_space<hbm>>
        tpu.wait_dma2 semaphore(%arg9 : memref<!tpu.dma_semaphore, #tpu.memory_space<semaphore_mem>>) src(%arg7 : memref<2048xf32, #tpu.memory_space<vmem>>) dst(%dma_wait3A_239 : memref<2048xf32, #tpu.memory_space<hbm>>)
        %dma_wait3A_240 = arith.constant 14336 : i32
        %dma_wait3A_241 = tpu.memref_slice %arg4[%add3A_128, %dma_wait3A_240] : memref<624x16384xf32, #tpu.memory_space<hbm>> -> memref<1x2048xf32, #tpu.memory_space<hbm>>
        %dma_wait3A_242 = tpu.memref_squeeze %dma_wait3A_241 : memref<1x2048xf32, #tpu.memory_space<hbm>> -> memref<2048xf32, #tpu.memory_space<hbm>>
        %dma_wait3A_243 = arith.constant 14336 : i32
        %dma_wait3A_244 = tpu.memref_slice %arg4[%add3A_128, %dma_wait3A_243] : memref<624x16384xf32, #tpu.memory_space<hbm>> -> memref<1x2048xf32, #tpu.memory_space<hbm>>
        %dma_wait3A_245 = tpu.memref_squeeze %dma_wait3A_244 : memref<1x2048xf32, #tpu.memory_space<hbm>> -> memref<2048xf32, #tpu.memory_space<hbm>>
        tpu.wait_dma2 semaphore(%arg10 : memref<!tpu.dma_semaphore, #tpu.memory_space<semaphore_mem>>) src(%arg8 : memref<2048xf32, #tpu.memory_space<vmem>>) dst(%dma_wait3A_245 : memref<2048xf32, #tpu.memory_space<hbm>>)
      }
    }
    %while3A_106 = arith.constant 1 : i32
    scf.for %while3A_107 = %while3A_104 to %while3A_100 step %while3A_106  : i32 {
      "tpu.region"() ({
        %run_scoped3A = tpu.sem_alloc : memref<!tpu.dma_semaphore, #tpu.memory_space<semaphore_mem>>
        %dma_start3A = arith.constant 0 : i32
        %dma_start3A_125 = tpu.memref_slice %arg3[%while3A_107, %dma_start3A] : memref<26x16384xi32, #tpu.memory_space<hbm>> -> memref<1x16384xi32, #tpu.memory_space<hbm>>
        %dma_start3A_126 = tpu.memref_squeeze %dma_start3A_125 : memref<1x16384xi32, #tpu.memory_space<hbm>> -> memref<16384xi32, #tpu.memory_space<hbm>>
        %dma_start3A_127 = arith.constant 0 : i32
        %dma_start3A_128 = tpu.memref_slice %arg3[%while3A_107, %dma_start3A_127] : memref<26x16384xi32, #tpu.memory_space<hbm>> -> memref<1x16384xi32, #tpu.memory_space<hbm>>
        %dma_start3A_129 = tpu.memref_squeeze %dma_start3A_128 : memref<1x16384xi32, #tpu.memory_space<hbm>> -> memref<16384xi32, #tpu.memory_space<hbm>>
        tpu.enqueue_dma source(%dma_start3A_129 : memref<16384xi32, #tpu.memory_space<hbm>>) target(%arg6 : memref<16384xi32, #tpu.memory_space<vmem>>) target_semaphore(%run_scoped3A : memref<!tpu.dma_semaphore, #tpu.memory_space<semaphore_mem>>)
        %dma_wait3A = arith.constant 0 : i32
        %dma_wait3A_130 = tpu.memref_slice %arg3[%while3A_107, %dma_wait3A] : memref<26x16384xi32, #tpu.memory_space<hbm>> -> memref<1x16384xi32, #tpu.memory_space<hbm>>
        %dma_wait3A_131 = tpu.memref_squeeze %dma_wait3A_130 : memref<1x16384xi32, #tpu.memory_space<hbm>> -> memref<16384xi32, #tpu.memory_space<hbm>>
        %dma_wait3A_132 = arith.constant 0 : i32
        %dma_wait3A_133 = tpu.memref_slice %arg3[%while3A_107, %dma_wait3A_132] : memref<26x16384xi32, #tpu.memory_space<hbm>> -> memref<1x16384xi32, #tpu.memory_space<hbm>>
        %dma_wait3A_134 = tpu.memref_squeeze %dma_wait3A_133 : memref<1x16384xi32, #tpu.memory_space<hbm>> -> memref<16384xi32, #tpu.memory_space<hbm>>
        tpu.wait_dma2 semaphore(%run_scoped3A : memref<!tpu.dma_semaphore, #tpu.memory_space<semaphore_mem>>) src(%dma_wait3A_134 : memref<16384xi32, #tpu.memory_space<hbm>>) dst(%arg6 : memref<16384xi32, #tpu.memory_space<vmem>>)
        tpu.yield
      }) : () -> ()
      %mul3A_108 = arith.constant 24 : i32
      %mul3A_109 = arith.muli %while3A_107, %mul3A_108 : i32
      %sub3A_110 = arith.subi %select_n3A, %mul3A_109 : i32
      %max3A = arith.constant 0 : i32
      %max3A_111 = arith.maxsi %sub3A_110, %max3A : i32
      %mul3A_112 = arith.constant 24 : i32
      %mul3A_113 = arith.muli %while3A_107, %mul3A_112 : i32
      %sub3A_114 = arith.subi %select_n3A_46, %mul3A_113 : i32
      %min3A = arith.constant 24 : i32
      %min3A_115 = arith.minsi %sub3A_114, %min3A : i32
      %while3A_116 = arith.constant 0 : i32
      %while3A_117 = arith.subi %min3A_115, %max3A_111 : i32
      %while3A_118 = arith.addi %max3A_111, %while3A_117 : i32
      %while3A_119 = arith.constant 1 : i32
      %while3A_120 = arith.divsi %while3A_117, %while3A_119 : i32
      %while3A_121 = arith.muli %while3A_120, %while3A_119 : i32
      %while3A_122 = arith.addi %max3A_111, %while3A_121 : i32
      %while3A_123 = arith.constant 1 : i32
      scf.for %while3A_125 = %max3A_111 to %while3A_122 step %while3A_123  : i32 {
        %mul3A_126 = arith.constant 24 : i32
        %mul3A_127 = arith.muli %while3A_107, %mul3A_126 : i32
        %add3A_128 = arith.addi %mul3A_127, %while3A_125 : i32
        "tpu.region"() ({
          %run_scoped3A = tpu.sem_alloc : memref<!tpu.dma_semaphore, #tpu.memory_space<semaphore_mem>>
          %dma_start3A_246 = arith.constant 0 : i32
          %dma_start3A_247 = tpu.memref_slice %arg2[%while3A_107, %while3A_125, %dma_start3A_246] : memref<26x24x100000xf32, #tpu.memory_space<hbm>> -> memref<1x1x100000xf32, #tpu.memory_space<hbm>>
          %dma_start3A_248 = tpu.memref_squeeze %dma_start3A_247 : memref<1x1x100000xf32, #tpu.memory_space<hbm>> -> memref<100000xf32, #tpu.memory_space<hbm>>
          %dma_start3A_249 = arith.constant 0 : i32
          %dma_start3A_250 = tpu.memref_slice %arg2[%while3A_107, %while3A_125, %dma_start3A_249] : memref<26x24x100000xf32, #tpu.memory_space<hbm>> -> memref<1x1x100000xf32, #tpu.memory_space<hbm>>
          %dma_start3A_251 = tpu.memref_squeeze %dma_start3A_250 : memref<1x1x100000xf32, #tpu.memory_space<hbm>> -> memref<100000xf32, #tpu.memory_space<hbm>>
          tpu.enqueue_dma source(%dma_start3A_251 : memref<100000xf32, #tpu.memory_space<hbm>>) target(%arg5 : memref<100000xf32, #tpu.memory_space<vmem>>) target_semaphore(%run_scoped3A : memref<!tpu.dma_semaphore, #tpu.memory_space<semaphore_mem>>)
          %dma_wait3A_252 = arith.constant 0 : i32
          %dma_wait3A_253 = tpu.memref_slice %arg2[%while3A_107, %while3A_125, %dma_wait3A_252] : memref<26x24x100000xf32, #tpu.memory_space<hbm>> -> memref<1x1x100000xf32, #tpu.memory_space<hbm>>
          %dma_wait3A_254 = tpu.memref_squeeze %dma_wait3A_253 : memref<1x1x100000xf32, #tpu.memory_space<hbm>> -> memref<100000xf32, #tpu.memory_space<hbm>>
          %dma_wait3A_255 = arith.constant 0 : i32
          %dma_wait3A_256 = tpu.memref_slice %arg2[%while3A_107, %while3A_125, %dma_wait3A_255] : memref<26x24x100000xf32, #tpu.memory_space<hbm>> -> memref<1x1x100000xf32, #tpu.memory_space<hbm>>
          %dma_wait3A_257 = tpu.memref_squeeze %dma_wait3A_256 : memref<1x1x100000xf32, #tpu.memory_space<hbm>> -> memref<100000xf32, #tpu.memory_space<hbm>>
          tpu.wait_dma2 semaphore(%run_scoped3A : memref<!tpu.dma_semaphore, #tpu.memory_space<semaphore_mem>>) src(%dma_wait3A_257 : memref<100000xf32, #tpu.memory_space<hbm>>) dst(%arg5 : memref<100000xf32, #tpu.memory_space<vmem>>)
          tpu.yield
        }) : () -> ()
        %parallel_loop3A = arith.constant 0 : i32
        %parallel_loop3A_129 = arith.constant 2048 : i32
        %parallel_loop3A_130 = arith.constant 16 : i32
        scf.for %parallel_loop3A_246 = %parallel_loop3A to %parallel_loop3A_129 step %parallel_loop3A_130  : i32 {
          %parallel_loop3A_247 = arith.index_cast %parallel_loop3A_246 : i32 to index
          %parallel_loop3A_248 = tpu.vector_load %arg6[%parallel_loop3A_247] {strides = array<i32>} : memref<16384xi32, #tpu.memory_space<vmem>>, vector<16xi32>,
          %parallel_loop3A_249 = tpu.vector_load_idx %arg5[%parallel_loop3A_248] : memref<100000xf32, #tpu.memory_space<vmem>>[vector<16xi32>], vector<16xf32>,
          %parallel_loop3A_250 = arith.constant 0 : i32
          %parallel_loop3A_251 = arith.subi %parallel_loop3A_246, %parallel_loop3A_250 : i32
          %parallel_loop3A_252 = arith.index_cast %parallel_loop3A_251 : i32 to index
          %parallel_loop3A_253 = tpu.vector_load %arg7[%parallel_loop3A_252] {strides = array<i32>} : memref<2048xf32, #tpu.memory_space<vmem>>, vector<16xf32>,
          tpu.vector_store %arg7[%parallel_loop3A_252], %parallel_loop3A_249 {strides = array<i32>} : memref<2048xf32, #tpu.memory_space<vmem>>, vector<16xf32>,
        } {sc.loop_unroll_factor = 16 : i64, sc.parallel_access}
        %dma_start3A = arith.constant 0 : i32
        %dma_start3A_131 = tpu.memref_slice %arg4[%add3A_128, %dma_start3A] : memref<624x16384xf32, #tpu.memory_space<hbm>> -> memref<1x2048xf32, #tpu.memory_space<hbm>>
        %dma_start3A_132 = tpu.memref_squeeze %dma_start3A_131 : memref<1x2048xf32, #tpu.memory_space<hbm>> -> memref<2048xf32, #tpu.memory_space<hbm>>
        %dma_start3A_133 = arith.constant 0 : i32
        %dma_start3A_134 = tpu.memref_slice %arg4[%add3A_128, %dma_start3A_133] : memref<624x16384xf32, #tpu.memory_space<hbm>> -> memref<1x2048xf32, #tpu.memory_space<hbm>>
        %dma_start3A_135 = tpu.memref_squeeze %dma_start3A_134 : memref<1x2048xf32, #tpu.memory_space<hbm>> -> memref<2048xf32, #tpu.memory_space<hbm>>
        tpu.enqueue_dma source(%arg7 : memref<2048xf32, #tpu.memory_space<vmem>>) target(%dma_start3A_135 : memref<2048xf32, #tpu.memory_space<hbm>>) target_semaphore(%arg9 : memref<!tpu.dma_semaphore, #tpu.memory_space<semaphore_mem>>)
        %parallel_loop3A_136 = arith.constant 2048 : i32
        %parallel_loop3A_137 = arith.constant 4096 : i32
        %parallel_loop3A_138 = arith.constant 16 : i32
        scf.for %parallel_loop3A_246 = %parallel_loop3A_136 to %parallel_loop3A_137 step %parallel_loop3A_138  : i32 {
          %parallel_loop3A_247 = arith.index_cast %parallel_loop3A_246 : i32 to index
          %parallel_loop3A_248 = tpu.vector_load %arg6[%parallel_loop3A_247] {strides = array<i32>} : memref<16384xi32, #tpu.memory_space<vmem>>, vector<16xi32>,
          %parallel_loop3A_249 = tpu.vector_load_idx %arg5[%parallel_loop3A_248] : memref<100000xf32, #tpu.memory_space<vmem>>[vector<16xi32>], vector<16xf32>,
          %parallel_loop3A_250 = arith.constant 2048 : i32
          %parallel_loop3A_251 = arith.subi %parallel_loop3A_246, %parallel_loop3A_250 : i32
          %parallel_loop3A_252 = arith.index_cast %parallel_loop3A_251 : i32 to index
          %parallel_loop3A_253 = tpu.vector_load %arg8[%parallel_loop3A_252] {strides = array<i32>} : memref<2048xf32, #tpu.memory_space<vmem>>, vector<16xf32>,
          tpu.vector_store %arg8[%parallel_loop3A_252], %parallel_loop3A_249 {strides = array<i32>} : memref<2048xf32, #tpu.memory_space<vmem>>, vector<16xf32>,
        } {sc.loop_unroll_factor = 16 : i64, sc.parallel_access}
        %dma_start3A_139 = arith.constant 2048 : i32
        %dma_start3A_140 = tpu.memref_slice %arg4[%add3A_128, %dma_start3A_139] : memref<624x16384xf32, #tpu.memory_space<hbm>> -> memref<1x2048xf32, #tpu.memory_space<hbm>>
        %dma_start3A_141 = tpu.memref_squeeze %dma_start3A_140 : memref<1x2048xf32, #tpu.memory_space<hbm>> -> memref<2048xf32, #tpu.memory_space<hbm>>
        %dma_start3A_142 = arith.constant 2048 : i32
        %dma_start3A_143 = tpu.memref_slice %arg4[%add3A_128, %dma_start3A_142] : memref<624x16384xf32, #tpu.memory_space<hbm>> -> memref<1x2048xf32, #tpu.memory_space<hbm>>
        %dma_start3A_144 = tpu.memref_squeeze %dma_start3A_143 : memref<1x2048xf32, #tpu.memory_space<hbm>> -> memref<2048xf32, #tpu.memory_space<hbm>>
        tpu.enqueue_dma source(%arg8 : memref<2048xf32, #tpu.memory_space<vmem>>) target(%dma_start3A_144 : memref<2048xf32, #tpu.memory_space<hbm>>) target_semaphore(%arg10 : memref<!tpu.dma_semaphore, #tpu.memory_space<semaphore_mem>>)
        %dma_wait3A = arith.constant 0 : i32
        %dma_wait3A_145 = tpu.memref_slice %arg4[%add3A_128, %dma_wait3A] : memref<624x16384xf32, #tpu.memory_space<hbm>> -> memref<1x2048xf32, #tpu.memory_space<hbm>>
        %dma_wait3A_146 = tpu.memref_squeeze %dma_wait3A_145 : memref<1x2048xf32, #tpu.memory_space<hbm>> -> memref<2048xf32, #tpu.memory_space<hbm>>
        %dma_wait3A_147 = arith.constant 0 : i32
        %dma_wait3A_148 = tpu.memref_slice %arg4[%add3A_128, %dma_wait3A_147] : memref<624x16384xf32, #tpu.memory_space<hbm>> -> memref<1x2048xf32, #tpu.memory_space<hbm>>
        %dma_wait3A_149 = tpu.memref_squeeze %dma_wait3A_148 : memref<1x2048xf32, #tpu.memory_space<hbm>> -> memref<2048xf32, #tpu.memory_space<hbm>>
        tpu.wait_dma2 semaphore(%arg9 : memref<!tpu.dma_semaphore, #tpu.memory_space<semaphore_mem>>) src(%arg7 : memref<2048xf32, #tpu.memory_space<vmem>>) dst(%dma_wait3A_149 : memref<2048xf32, #tpu.memory_space<hbm>>)
        %parallel_loop3A_150 = arith.constant 4096 : i32
        %parallel_loop3A_151 = arith.constant 6144 : i32
        %parallel_loop3A_152 = arith.constant 16 : i32
        scf.for %parallel_loop3A_246 = %parallel_loop3A_150 to %parallel_loop3A_151 step %parallel_loop3A_152  : i32 {
          %parallel_loop3A_247 = arith.index_cast %parallel_loop3A_246 : i32 to index
          %parallel_loop3A_248 = tpu.vector_load %arg6[%parallel_loop3A_247] {strides = array<i32>} : memref<16384xi32, #tpu.memory_space<vmem>>, vector<16xi32>,
          %parallel_loop3A_249 = tpu.vector_load_idx %arg5[%parallel_loop3A_248] : memref<100000xf32, #tpu.memory_space<vmem>>[vector<16xi32>], vector<16xf32>,
          %parallel_loop3A_250 = arith.constant 4096 : i32
          %parallel_loop3A_251 = arith.subi %parallel_loop3A_246, %parallel_loop3A_250 : i32
          %parallel_loop3A_252 = arith.index_cast %parallel_loop3A_251 : i32 to index
          %parallel_loop3A_253 = tpu.vector_load %arg7[%parallel_loop3A_252] {strides = array<i32>} : memref<2048xf32, #tpu.memory_space<vmem>>, vector<16xf32>,
          tpu.vector_store %arg7[%parallel_loop3A_252], %parallel_loop3A_249 {strides = array<i32>} : memref<2048xf32, #tpu.memory_space<vmem>>, vector<16xf32>,
        } {sc.loop_unroll_factor = 16 : i64, sc.parallel_access}
        %dma_start3A_153 = arith.constant 4096 : i32
        %dma_start3A_154 = tpu.memref_slice %arg4[%add3A_128, %dma_start3A_153] : memref<624x16384xf32, #tpu.memory_space<hbm>> -> memref<1x2048xf32, #tpu.memory_space<hbm>>
        %dma_start3A_155 = tpu.memref_squeeze %dma_start3A_154 : memref<1x2048xf32, #tpu.memory_space<hbm>> -> memref<2048xf32, #tpu.memory_space<hbm>>
        %dma_start3A_156 = arith.constant 4096 : i32
        %dma_start3A_157 = tpu.memref_slice %arg4[%add3A_128, %dma_start3A_156] : memref<624x16384xf32, #tpu.memory_space<hbm>> -> memref<1x2048xf32, #tpu.memory_space<hbm>>
        %dma_start3A_158 = tpu.memref_squeeze %dma_start3A_157 : memref<1x2048xf32, #tpu.memory_space<hbm>> -> memref<2048xf32, #tpu.memory_space<hbm>>
        tpu.enqueue_dma source(%arg7 : memref<2048xf32, #tpu.memory_space<vmem>>) target(%dma_start3A_158 : memref<2048xf32, #tpu.memory_space<hbm>>) target_semaphore(%arg9 : memref<!tpu.dma_semaphore, #tpu.memory_space<semaphore_mem>>)
        %dma_wait3A_159 = arith.constant 2048 : i32
        %dma_wait3A_160 = tpu.memref_slice %arg4[%add3A_128, %dma_wait3A_159] : memref<624x16384xf32, #tpu.memory_space<hbm>> -> memref<1x2048xf32, #tpu.memory_space<hbm>>
        %dma_wait3A_161 = tpu.memref_squeeze %dma_wait3A_160 : memref<1x2048xf32, #tpu.memory_space<hbm>> -> memref<2048xf32, #tpu.memory_space<hbm>>
        %dma_wait3A_162 = arith.constant 2048 : i32
        %dma_wait3A_163 = tpu.memref_slice %arg4[%add3A_128, %dma_wait3A_162] : memref<624x16384xf32, #tpu.memory_space<hbm>> -> memref<1x2048xf32, #tpu.memory_space<hbm>>
        %dma_wait3A_164 = tpu.memref_squeeze %dma_wait3A_163 : memref<1x2048xf32, #tpu.memory_space<hbm>> -> memref<2048xf32, #tpu.memory_space<hbm>>
        tpu.wait_dma2 semaphore(%arg10 : memref<!tpu.dma_semaphore, #tpu.memory_space<semaphore_mem>>) src(%arg8 : memref<2048xf32, #tpu.memory_space<vmem>>) dst(%dma_wait3A_164 : memref<2048xf32, #tpu.memory_space<hbm>>)
        %parallel_loop3A_165 = arith.constant 6144 : i32
        %parallel_loop3A_166 = arith.constant 8192 : i32
        %parallel_loop3A_167 = arith.constant 16 : i32
        scf.for %parallel_loop3A_246 = %parallel_loop3A_165 to %parallel_loop3A_166 step %parallel_loop3A_167  : i32 {
          %parallel_loop3A_247 = arith.index_cast %parallel_loop3A_246 : i32 to index
          %parallel_loop3A_248 = tpu.vector_load %arg6[%parallel_loop3A_247] {strides = array<i32>} : memref<16384xi32, #tpu.memory_space<vmem>>, vector<16xi32>,
          %parallel_loop3A_249 = tpu.vector_load_idx %arg5[%parallel_loop3A_248] : memref<100000xf32, #tpu.memory_space<vmem>>[vector<16xi32>], vector<16xf32>,
          %parallel_loop3A_250 = arith.constant 6144 : i32
          %parallel_loop3A_251 = arith.subi %parallel_loop3A_246, %parallel_loop3A_250 : i32
          %parallel_loop3A_252 = arith.index_cast %parallel_loop3A_251 : i32 to index
          %parallel_loop3A_253 = tpu.vector_load %arg8[%parallel_loop3A_252] {strides = array<i32>} : memref<2048xf32, #tpu.memory_space<vmem>>, vector<16xf32>,
          tpu.vector_store %arg8[%parallel_loop3A_252], %parallel_loop3A_249 {strides = array<i32>} : memref<2048xf32, #tpu.memory_space<vmem>>, vector<16xf32>,
        } {sc.loop_unroll_factor = 16 : i64, sc.parallel_access}
        %dma_start3A_168 = arith.constant 6144 : i32
        %dma_start3A_169 = tpu.memref_slice %arg4[%add3A_128, %dma_start3A_168] : memref<624x16384xf32, #tpu.memory_space<hbm>> -> memref<1x2048xf32, #tpu.memory_space<hbm>>
        %dma_start3A_170 = tpu.memref_squeeze %dma_start3A_169 : memref<1x2048xf32, #tpu.memory_space<hbm>> -> memref<2048xf32, #tpu.memory_space<hbm>>
        %dma_start3A_171 = arith.constant 6144 : i32
        %dma_start3A_172 = tpu.memref_slice %arg4[%add3A_128, %dma_start3A_171] : memref<624x16384xf32, #tpu.memory_space<hbm>> -> memref<1x2048xf32, #tpu.memory_space<hbm>>
        %dma_start3A_173 = tpu.memref_squeeze %dma_start3A_172 : memref<1x2048xf32, #tpu.memory_space<hbm>> -> memref<2048xf32, #tpu.memory_space<hbm>>
        tpu.enqueue_dma source(%arg8 : memref<2048xf32, #tpu.memory_space<vmem>>) target(%dma_start3A_173 : memref<2048xf32, #tpu.memory_space<hbm>>) target_semaphore(%arg10 : memref<!tpu.dma_semaphore, #tpu.memory_space<semaphore_mem>>)
        %dma_wait3A_174 = arith.constant 4096 : i32
        %dma_wait3A_175 = tpu.memref_slice %arg4[%add3A_128, %dma_wait3A_174] : memref<624x16384xf32, #tpu.memory_space<hbm>> -> memref<1x2048xf32, #tpu.memory_space<hbm>>
        %dma_wait3A_176 = tpu.memref_squeeze %dma_wait3A_175 : memref<1x2048xf32, #tpu.memory_space<hbm>> -> memref<2048xf32, #tpu.memory_space<hbm>>
        %dma_wait3A_177 = arith.constant 4096 : i32
        %dma_wait3A_178 = tpu.memref_slice %arg4[%add3A_128, %dma_wait3A_177] : memref<624x16384xf32, #tpu.memory_space<hbm>> -> memref<1x2048xf32, #tpu.memory_space<hbm>>
        %dma_wait3A_179 = tpu.memref_squeeze %dma_wait3A_178 : memref<1x2048xf32, #tpu.memory_space<hbm>> -> memref<2048xf32, #tpu.memory_space<hbm>>
        tpu.wait_dma2 semaphore(%arg9 : memref<!tpu.dma_semaphore, #tpu.memory_space<semaphore_mem>>) src(%arg7 : memref<2048xf32, #tpu.memory_space<vmem>>) dst(%dma_wait3A_179 : memref<2048xf32, #tpu.memory_space<hbm>>)
        %parallel_loop3A_180 = arith.constant 8192 : i32
        %parallel_loop3A_181 = arith.constant 10240 : i32
        %parallel_loop3A_182 = arith.constant 16 : i32
        scf.for %parallel_loop3A_246 = %parallel_loop3A_180 to %parallel_loop3A_181 step %parallel_loop3A_182  : i32 {
          %parallel_loop3A_247 = arith.index_cast %parallel_loop3A_246 : i32 to index
          %parallel_loop3A_248 = tpu.vector_load %arg6[%parallel_loop3A_247] {strides = array<i32>} : memref<16384xi32, #tpu.memory_space<vmem>>, vector<16xi32>,
          %parallel_loop3A_249 = tpu.vector_load_idx %arg5[%parallel_loop3A_248] : memref<100000xf32, #tpu.memory_space<vmem>>[vector<16xi32>], vector<16xf32>,
          %parallel_loop3A_250 = arith.constant 8192 : i32
          %parallel_loop3A_251 = arith.subi %parallel_loop3A_246, %parallel_loop3A_250 : i32
          %parallel_loop3A_252 = arith.index_cast %parallel_loop3A_251 : i32 to index
          %parallel_loop3A_253 = tpu.vector_load %arg7[%parallel_loop3A_252] {strides = array<i32>} : memref<2048xf32, #tpu.memory_space<vmem>>, vector<16xf32>,
          tpu.vector_store %arg7[%parallel_loop3A_252], %parallel_loop3A_249 {strides = array<i32>} : memref<2048xf32, #tpu.memory_space<vmem>>, vector<16xf32>,
        } {sc.loop_unroll_factor = 16 : i64, sc.parallel_access}
        %dma_start3A_183 = arith.constant 8192 : i32
        %dma_start3A_184 = tpu.memref_slice %arg4[%add3A_128, %dma_start3A_183] : memref<624x16384xf32, #tpu.memory_space<hbm>> -> memref<1x2048xf32, #tpu.memory_space<hbm>>
        %dma_start3A_185 = tpu.memref_squeeze %dma_start3A_184 : memref<1x2048xf32, #tpu.memory_space<hbm>> -> memref<2048xf32, #tpu.memory_space<hbm>>
        %dma_start3A_186 = arith.constant 8192 : i32
        %dma_start3A_187 = tpu.memref_slice %arg4[%add3A_128, %dma_start3A_186] : memref<624x16384xf32, #tpu.memory_space<hbm>> -> memref<1x2048xf32, #tpu.memory_space<hbm>>
        %dma_start3A_188 = tpu.memref_squeeze %dma_start3A_187 : memref<1x2048xf32, #tpu.memory_space<hbm>> -> memref<2048xf32, #tpu.memory_space<hbm>>
        tpu.enqueue_dma source(%arg7 : memref<2048xf32, #tpu.memory_space<vmem>>) target(%dma_start3A_188 : memref<2048xf32, #tpu.memory_space<hbm>>) target_semaphore(%arg9 : memref<!tpu.dma_semaphore, #tpu.memory_space<semaphore_mem>>)
        %dma_wait3A_189 = arith.constant 6144 : i32
        %dma_wait3A_190 = tpu.memref_slice %arg4[%add3A_128, %dma_wait3A_189] : memref<624x16384xf32, #tpu.memory_space<hbm>> -> memref<1x2048xf32, #tpu.memory_space<hbm>>
        %dma_wait3A_191 = tpu.memref_squeeze %dma_wait3A_190 : memref<1x2048xf32, #tpu.memory_space<hbm>> -> memref<2048xf32, #tpu.memory_space<hbm>>
        %dma_wait3A_192 = arith.constant 6144 : i32
        %dma_wait3A_193 = tpu.memref_slice %arg4[%add3A_128, %dma_wait3A_192] : memref<624x16384xf32, #tpu.memory_space<hbm>> -> memref<1x2048xf32, #tpu.memory_space<hbm>>
        %dma_wait3A_194 = tpu.memref_squeeze %dma_wait3A_193 : memref<1x2048xf32, #tpu.memory_space<hbm>> -> memref<2048xf32, #tpu.memory_space<hbm>>
        tpu.wait_dma2 semaphore(%arg10 : memref<!tpu.dma_semaphore, #tpu.memory_space<semaphore_mem>>) src(%arg8 : memref<2048xf32, #tpu.memory_space<vmem>>) dst(%dma_wait3A_194 : memref<2048xf32, #tpu.memory_space<hbm>>)
        %parallel_loop3A_195 = arith.constant 10240 : i32
        %parallel_loop3A_196 = arith.constant 12288 : i32
        %parallel_loop3A_197 = arith.constant 16 : i32
        scf.for %parallel_loop3A_246 = %parallel_loop3A_195 to %parallel_loop3A_196 step %parallel_loop3A_197  : i32 {
          %parallel_loop3A_247 = arith.index_cast %parallel_loop3A_246 : i32 to index
          %parallel_loop3A_248 = tpu.vector_load %arg6[%parallel_loop3A_247] {strides = array<i32>} : memref<16384xi32, #tpu.memory_space<vmem>>, vector<16xi32>,
          %parallel_loop3A_249 = tpu.vector_load_idx %arg5[%parallel_loop3A_248] : memref<100000xf32, #tpu.memory_space<vmem>>[vector<16xi32>], vector<16xf32>,
          %parallel_loop3A_250 = arith.constant 10240 : i32
          %parallel_loop3A_251 = arith.subi %parallel_loop3A_246, %parallel_loop3A_250 : i32
          %parallel_loop3A_252 = arith.index_cast %parallel_loop3A_251 : i32 to index
          %parallel_loop3A_253 = tpu.vector_load %arg8[%parallel_loop3A_252] {strides = array<i32>} : memref<2048xf32, #tpu.memory_space<vmem>>, vector<16xf32>,
          tpu.vector_store %arg8[%parallel_loop3A_252], %parallel_loop3A_249 {strides = array<i32>} : memref<2048xf32, #tpu.memory_space<vmem>>, vector<16xf32>,
        } {sc.loop_unroll_factor = 16 : i64, sc.parallel_access}
        %dma_start3A_198 = arith.constant 10240 : i32
        %dma_start3A_199 = tpu.memref_slice %arg4[%add3A_128, %dma_start3A_198] : memref<624x16384xf32, #tpu.memory_space<hbm>> -> memref<1x2048xf32, #tpu.memory_space<hbm>>
        %dma_start3A_200 = tpu.memref_squeeze %dma_start3A_199 : memref<1x2048xf32, #tpu.memory_space<hbm>> -> memref<2048xf32, #tpu.memory_space<hbm>>
        %dma_start3A_201 = arith.constant 10240 : i32
        %dma_start3A_202 = tpu.memref_slice %arg4[%add3A_128, %dma_start3A_201] : memref<624x16384xf32, #tpu.memory_space<hbm>> -> memref<1x2048xf32, #tpu.memory_space<hbm>>
        %dma_start3A_203 = tpu.memref_squeeze %dma_start3A_202 : memref<1x2048xf32, #tpu.memory_space<hbm>> -> memref<2048xf32, #tpu.memory_space<hbm>>
        tpu.enqueue_dma source(%arg8 : memref<2048xf32, #tpu.memory_space<vmem>>) target(%dma_start3A_203 : memref<2048xf32, #tpu.memory_space<hbm>>) target_semaphore(%arg10 : memref<!tpu.dma_semaphore, #tpu.memory_space<semaphore_mem>>)
        %dma_wait3A_204 = arith.constant 8192 : i32
        %dma_wait3A_205 = tpu.memref_slice %arg4[%add3A_128, %dma_wait3A_204] : memref<624x16384xf32, #tpu.memory_space<hbm>> -> memref<1x2048xf32, #tpu.memory_space<hbm>>
        %dma_wait3A_206 = tpu.memref_squeeze %dma_wait3A_205 : memref<1x2048xf32, #tpu.memory_space<hbm>> -> memref<2048xf32, #tpu.memory_space<hbm>>
        %dma_wait3A_207 = arith.constant 8192 : i32
        %dma_wait3A_208 = tpu.memref_slice %arg4[%add3A_128, %dma_wait3A_207] : memref<624x16384xf32, #tpu.memory_space<hbm>> -> memref<1x2048xf32, #tpu.memory_space<hbm>>
        %dma_wait3A_209 = tpu.memref_squeeze %dma_wait3A_208 : memref<1x2048xf32, #tpu.memory_space<hbm>> -> memref<2048xf32, #tpu.memory_space<hbm>>
        tpu.wait_dma2 semaphore(%arg9 : memref<!tpu.dma_semaphore, #tpu.memory_space<semaphore_mem>>) src(%arg7 : memref<2048xf32, #tpu.memory_space<vmem>>) dst(%dma_wait3A_209 : memref<2048xf32, #tpu.memory_space<hbm>>)
        %parallel_loop3A_210 = arith.constant 12288 : i32
        %parallel_loop3A_211 = arith.constant 14336 : i32
        %parallel_loop3A_212 = arith.constant 16 : i32
        scf.for %parallel_loop3A_246 = %parallel_loop3A_210 to %parallel_loop3A_211 step %parallel_loop3A_212  : i32 {
          %parallel_loop3A_247 = arith.index_cast %parallel_loop3A_246 : i32 to index
          %parallel_loop3A_248 = tpu.vector_load %arg6[%parallel_loop3A_247] {strides = array<i32>} : memref<16384xi32, #tpu.memory_space<vmem>>, vector<16xi32>,
          %parallel_loop3A_249 = tpu.vector_load_idx %arg5[%parallel_loop3A_248] : memref<100000xf32, #tpu.memory_space<vmem>>[vector<16xi32>], vector<16xf32>,
          %parallel_loop3A_250 = arith.constant 12288 : i32
          %parallel_loop3A_251 = arith.subi %parallel_loop3A_246, %parallel_loop3A_250 : i32
          %parallel_loop3A_252 = arith.index_cast %parallel_loop3A_251 : i32 to index
          %parallel_loop3A_253 = tpu.vector_load %arg7[%parallel_loop3A_252] {strides = array<i32>} : memref<2048xf32, #tpu.memory_space<vmem>>, vector<16xf32>,
          tpu.vector_store %arg7[%parallel_loop3A_252], %parallel_loop3A_249 {strides = array<i32>} : memref<2048xf32, #tpu.memory_space<vmem>>, vector<16xf32>,
        } {sc.loop_unroll_factor = 16 : i64, sc.parallel_access}
        %dma_start3A_213 = arith.constant 12288 : i32
        %dma_start3A_214 = tpu.memref_slice %arg4[%add3A_128, %dma_start3A_213] : memref<624x16384xf32, #tpu.memory_space<hbm>> -> memref<1x2048xf32, #tpu.memory_space<hbm>>
        %dma_start3A_215 = tpu.memref_squeeze %dma_start3A_214 : memref<1x2048xf32, #tpu.memory_space<hbm>> -> memref<2048xf32, #tpu.memory_space<hbm>>
        %dma_start3A_216 = arith.constant 12288 : i32
        %dma_start3A_217 = tpu.memref_slice %arg4[%add3A_128, %dma_start3A_216] : memref<624x16384xf32, #tpu.memory_space<hbm>> -> memref<1x2048xf32, #tpu.memory_space<hbm>>
        %dma_start3A_218 = tpu.memref_squeeze %dma_start3A_217 : memref<1x2048xf32, #tpu.memory_space<hbm>> -> memref<2048xf32, #tpu.memory_space<hbm>>
        tpu.enqueue_dma source(%arg7 : memref<2048xf32, #tpu.memory_space<vmem>>) target(%dma_start3A_218 : memref<2048xf32, #tpu.memory_space<hbm>>) target_semaphore(%arg9 : memref<!tpu.dma_semaphore, #tpu.memory_space<semaphore_mem>>)
        %dma_wait3A_219 = arith.constant 10240 : i32
        %dma_wait3A_220 = tpu.memref_slice %arg4[%add3A_128, %dma_wait3A_219] : memref<624x16384xf32, #tpu.memory_space<hbm>> -> memref<1x2048xf32, #tpu.memory_space<hbm>>
        %dma_wait3A_221 = tpu.memref_squeeze %dma_wait3A_220 : memref<1x2048xf32, #tpu.memory_space<hbm>> -> memref<2048xf32, #tpu.memory_space<hbm>>
        %dma_wait3A_222 = arith.constant 10240 : i32
        %dma_wait3A_223 = tpu.memref_slice %arg4[%add3A_128, %dma_wait3A_222] : memref<624x16384xf32, #tpu.memory_space<hbm>> -> memref<1x2048xf32, #tpu.memory_space<hbm>>
        %dma_wait3A_224 = tpu.memref_squeeze %dma_wait3A_223 : memref<1x2048xf32, #tpu.memory_space<hbm>> -> memref<2048xf32, #tpu.memory_space<hbm>>
        tpu.wait_dma2 semaphore(%arg10 : memref<!tpu.dma_semaphore, #tpu.memory_space<semaphore_mem>>) src(%arg8 : memref<2048xf32, #tpu.memory_space<vmem>>) dst(%dma_wait3A_224 : memref<2048xf32, #tpu.memory_space<hbm>>)
        %parallel_loop3A_225 = arith.constant 14336 : i32
        %parallel_loop3A_226 = arith.constant 16384 : i32
        %parallel_loop3A_227 = arith.constant 16 : i32
        scf.for %parallel_loop3A_246 = %parallel_loop3A_225 to %parallel_loop3A_226 step %parallel_loop3A_227  : i32 {
          %parallel_loop3A_247 = arith.index_cast %parallel_loop3A_246 : i32 to index
          %parallel_loop3A_248 = tpu.vector_load %arg6[%parallel_loop3A_247] {strides = array<i32>} : memref<16384xi32, #tpu.memory_space<vmem>>, vector<16xi32>,
          %parallel_loop3A_249 = tpu.vector_load_idx %arg5[%parallel_loop3A_248] : memref<100000xf32, #tpu.memory_space<vmem>>[vector<16xi32>], vector<16xf32>,
          %parallel_loop3A_250 = arith.constant 14336 : i32
          %parallel_loop3A_251 = arith.subi %parallel_loop3A_246, %parallel_loop3A_250 : i32
          %parallel_loop3A_252 = arith.index_cast %parallel_loop3A_251 : i32 to index
          %parallel_loop3A_253 = tpu.vector_load %arg8[%parallel_loop3A_252] {strides = array<i32>} : memref<2048xf32, #tpu.memory_space<vmem>>, vector<16xf32>,
          tpu.vector_store %arg8[%parallel_loop3A_252], %parallel_loop3A_249 {strides = array<i32>} : memref<2048xf32, #tpu.memory_space<vmem>>, vector<16xf32>,
        } {sc.loop_unroll_factor = 16 : i64, sc.parallel_access}
        %dma_start3A_228 = arith.constant 14336 : i32
        %dma_start3A_229 = tpu.memref_slice %arg4[%add3A_128, %dma_start3A_228] : memref<624x16384xf32, #tpu.memory_space<hbm>> -> memref<1x2048xf32, #tpu.memory_space<hbm>>
        %dma_start3A_230 = tpu.memref_squeeze %dma_start3A_229 : memref<1x2048xf32, #tpu.memory_space<hbm>> -> memref<2048xf32, #tpu.memory_space<hbm>>
        %dma_start3A_231 = arith.constant 14336 : i32
        %dma_start3A_232 = tpu.memref_slice %arg4[%add3A_128, %dma_start3A_231] : memref<624x16384xf32, #tpu.memory_space<hbm>> -> memref<1x2048xf32, #tpu.memory_space<hbm>>
        %dma_start3A_233 = tpu.memref_squeeze %dma_start3A_232 : memref<1x2048xf32, #tpu.memory_space<hbm>> -> memref<2048xf32, #tpu.memory_space<hbm>>
        tpu.enqueue_dma source(%arg8 : memref<2048xf32, #tpu.memory_space<vmem>>) target(%dma_start3A_233 : memref<2048xf32, #tpu.memory_space<hbm>>) target_semaphore(%arg10 : memref<!tpu.dma_semaphore, #tpu.memory_space<semaphore_mem>>)
        %dma_wait3A_234 = arith.constant 12288 : i32
        %dma_wait3A_235 = tpu.memref_slice %arg4[%add3A_128, %dma_wait3A_234] : memref<624x16384xf32, #tpu.memory_space<hbm>> -> memref<1x2048xf32, #tpu.memory_space<hbm>>
        %dma_wait3A_236 = tpu.memref_squeeze %dma_wait3A_235 : memref<1x2048xf32, #tpu.memory_space<hbm>> -> memref<2048xf32, #tpu.memory_space<hbm>>
        %dma_wait3A_237 = arith.constant 12288 : i32
        %dma_wait3A_238 = tpu.memref_slice %arg4[%add3A_128, %dma_wait3A_237] : memref<624x16384xf32, #tpu.memory_space<hbm>> -> memref<1x2048xf32, #tpu.memory_space<hbm>>
        %dma_wait3A_239 = tpu.memref_squeeze %dma_wait3A_238 : memref<1x2048xf32, #tpu.memory_space<hbm>> -> memref<2048xf32, #tpu.memory_space<hbm>>
        tpu.wait_dma2 semaphore(%arg9 : memref<!tpu.dma_semaphore, #tpu.memory_space<semaphore_mem>>) src(%arg7 : memref<2048xf32, #tpu.memory_space<vmem>>) dst(%dma_wait3A_239 : memref<2048xf32, #tpu.memory_space<hbm>>)
        %dma_wait3A_240 = arith.constant 14336 : i32
        %dma_wait3A_241 = tpu.memref_slice %arg4[%add3A_128, %dma_wait3A_240] : memref<624x16384xf32, #tpu.memory_space<hbm>> -> memref<1x2048xf32, #tpu.memory_space<hbm>>
        %dma_wait3A_242 = tpu.memref_squeeze %dma_wait3A_241 : memref<1x2048xf32, #tpu.memory_space<hbm>> -> memref<2048xf32, #tpu.memory_space<hbm>>
        %dma_wait3A_243 = arith.constant 14336 : i32
        %dma_wait3A_244 = tpu.memref_slice %arg4[%add3A_128, %dma_wait3A_243] : memref<624x16384xf32, #tpu.memory_space<hbm>> -> memref<1x2048xf32, #tpu.memory_space<hbm>>
        %dma_wait3A_245 = tpu.memref_squeeze %dma_wait3A_244 : memref<1x2048xf32, #tpu.memory_space<hbm>> -> memref<2048xf32, #tpu.memory_space<hbm>>
        tpu.wait_dma2 semaphore(%arg10 : memref<!tpu.dma_semaphore, #tpu.memory_space<semaphore_mem>>) src(%arg8 : memref<2048xf32, #tpu.memory_space<vmem>>) dst(%dma_wait3A_245 : memref<2048xf32, #tpu.memory_space<hbm>>)
      }
      %while3A_124 = arith.constant 1 : i32
      scf.for %while3A_125 = %while3A_122 to %while3A_118 step %while3A_124  : i32 {
        %mul3A_126 = arith.constant 24 : i32
        %mul3A_127 = arith.muli %while3A_107, %mul3A_126 : i32
        %add3A_128 = arith.addi %mul3A_127, %while3A_125 : i32
        "tpu.region"() ({
          %run_scoped3A = tpu.sem_alloc : memref<!tpu.dma_semaphore, #tpu.memory_space<semaphore_mem>>
          %dma_start3A_246 = arith.constant 0 : i32
          %dma_start3A_247 = tpu.memref_slice %arg2[%while3A_107, %while3A_125, %dma_start3A_246] : memref<26x24x100000xf32, #tpu.memory_space<hbm>> -> memref<1x1x100000xf32, #tpu.memory_space<hbm>>
          %dma_start3A_248 = tpu.memref_squeeze %dma_start3A_247 : memref<1x1x100000xf32, #tpu.memory_space<hbm>> -> memref<100000xf32, #tpu.memory_space<hbm>>
          %dma_start3A_249 = arith.constant 0 : i32
          %dma_start3A_250 = tpu.memref_slice %arg2[%while3A_107, %while3A_125, %dma_start3A_249] : memref<26x24x100000xf32, #tpu.memory_space<hbm>> -> memref<1x1x100000xf32, #tpu.memory_space<hbm>>
          %dma_start3A_251 = tpu.memref_squeeze %dma_start3A_250 : memref<1x1x100000xf32, #tpu.memory_space<hbm>> -> memref<100000xf32, #tpu.memory_space<hbm>>
          tpu.enqueue_dma source(%dma_start3A_251 : memref<100000xf32, #tpu.memory_space<hbm>>) target(%arg5 : memref<100000xf32, #tpu.memory_space<vmem>>) target_semaphore(%run_scoped3A : memref<!tpu.dma_semaphore, #tpu.memory_space<semaphore_mem>>)
          %dma_wait3A_252 = arith.constant 0 : i32
          %dma_wait3A_253 = tpu.memref_slice %arg2[%while3A_107, %while3A_125, %dma_wait3A_252] : memref<26x24x100000xf32, #tpu.memory_space<hbm>> -> memref<1x1x100000xf32, #tpu.memory_space<hbm>>
          %dma_wait3A_254 = tpu.memref_squeeze %dma_wait3A_253 : memref<1x1x100000xf32, #tpu.memory_space<hbm>> -> memref<100000xf32, #tpu.memory_space<hbm>>
          %dma_wait3A_255 = arith.constant 0 : i32
          %dma_wait3A_256 = tpu.memref_slice %arg2[%while3A_107, %while3A_125, %dma_wait3A_255] : memref<26x24x100000xf32, #tpu.memory_space<hbm>> -> memref<1x1x100000xf32, #tpu.memory_space<hbm>>
          %dma_wait3A_257 = tpu.memref_squeeze %dma_wait3A_256 : memref<1x1x100000xf32, #tpu.memory_space<hbm>> -> memref<100000xf32, #tpu.memory_space<hbm>>
          tpu.wait_dma2 semaphore(%run_scoped3A : memref<!tpu.dma_semaphore, #tpu.memory_space<semaphore_mem>>) src(%dma_wait3A_257 : memref<100000xf32, #tpu.memory_space<hbm>>) dst(%arg5 : memref<100000xf32, #tpu.memory_space<vmem>>)
          tpu.yield
        }) : () -> ()
        %parallel_loop3A = arith.constant 0 : i32
        %parallel_loop3A_129 = arith.constant 2048 : i32
        %parallel_loop3A_130 = arith.constant 16 : i32
        scf.for %parallel_loop3A_246 = %parallel_loop3A to %parallel_loop3A_129 step %parallel_loop3A_130  : i32 {
          %parallel_loop3A_247 = arith.index_cast %parallel_loop3A_246 : i32 to index
          %parallel_loop3A_248 = tpu.vector_load %arg6[%parallel_loop3A_247] {strides = array<i32>} : memref<16384xi32, #tpu.memory_space<vmem>>, vector<16xi32>,
          %parallel_loop3A_249 = tpu.vector_load_idx %arg5[%parallel_loop3A_248] : memref<100000xf32, #tpu.memory_space<vmem>>[vector<16xi32>], vector<16xf32>,
          %parallel_loop3A_250 = arith.constant 0 : i32
          %parallel_loop3A_251 = arith.subi %parallel_loop3A_246, %parallel_loop3A_250 : i32
          %parallel_loop3A_252 = arith.index_cast %parallel_loop3A_251 : i32 to index
          %parallel_loop3A_253 = tpu.vector_load %arg7[%parallel_loop3A_252] {strides = array<i32>} : memref<2048xf32, #tpu.memory_space<vmem>>, vector<16xf32>,
          tpu.vector_store %arg7[%parallel_loop3A_252], %parallel_loop3A_249 {strides = array<i32>} : memref<2048xf32, #tpu.memory_space<vmem>>, vector<16xf32>,
        } {sc.loop_unroll_factor = 16 : i64, sc.parallel_access}
        %dma_start3A = arith.constant 0 : i32
        %dma_start3A_131 = tpu.memref_slice %arg4[%add3A_128, %dma_start3A] : memref<624x16384xf32, #tpu.memory_space<hbm>> -> memref<1x2048xf32, #tpu.memory_space<hbm>>
        %dma_start3A_132 = tpu.memref_squeeze %dma_start3A_131 : memref<1x2048xf32, #tpu.memory_space<hbm>> -> memref<2048xf32, #tpu.memory_space<hbm>>
        %dma_start3A_133 = arith.constant 0 : i32
        %dma_start3A_134 = tpu.memref_slice %arg4[%add3A_128, %dma_start3A_133] : memref<624x16384xf32, #tpu.memory_space<hbm>> -> memref<1x2048xf32, #tpu.memory_space<hbm>>
        %dma_start3A_135 = tpu.memref_squeeze %dma_start3A_134 : memref<1x2048xf32, #tpu.memory_space<hbm>> -> memref<2048xf32, #tpu.memory_space<hbm>>
        tpu.enqueue_dma source(%arg7 : memref<2048xf32, #tpu.memory_space<vmem>>) target(%dma_start3A_135 : memref<2048xf32, #tpu.memory_space<hbm>>) target_semaphore(%arg9 : memref<!tpu.dma_semaphore, #tpu.memory_space<semaphore_mem>>)
        %parallel_loop3A_136 = arith.constant 2048 : i32
        %parallel_loop3A_137 = arith.constant 4096 : i32
        %parallel_loop3A_138 = arith.constant 16 : i32
        scf.for %parallel_loop3A_246 = %parallel_loop3A_136 to %parallel_loop3A_137 step %parallel_loop3A_138  : i32 {
          %parallel_loop3A_247 = arith.index_cast %parallel_loop3A_246 : i32 to index
          %parallel_loop3A_248 = tpu.vector_load %arg6[%parallel_loop3A_247] {strides = array<i32>} : memref<16384xi32, #tpu.memory_space<vmem>>, vector<16xi32>,
          %parallel_loop3A_249 = tpu.vector_load_idx %arg5[%parallel_loop3A_248] : memref<100000xf32, #tpu.memory_space<vmem>>[vector<16xi32>], vector<16xf32>,
          %parallel_loop3A_250 = arith.constant 2048 : i32
          %parallel_loop3A_251 = arith.subi %parallel_loop3A_246, %parallel_loop3A_250 : i32
          %parallel_loop3A_252 = arith.index_cast %parallel_loop3A_251 : i32 to index
          %parallel_loop3A_253 = tpu.vector_load %arg8[%parallel_loop3A_252] {strides = array<i32>} : memref<2048xf32, #tpu.memory_space<vmem>>, vector<16xf32>,
          tpu.vector_store %arg8[%parallel_loop3A_252], %parallel_loop3A_249 {strides = array<i32>} : memref<2048xf32, #tpu.memory_space<vmem>>, vector<16xf32>,
        } {sc.loop_unroll_factor = 16 : i64, sc.parallel_access}
        %dma_start3A_139 = arith.constant 2048 : i32
        %dma_start3A_140 = tpu.memref_slice %arg4[%add3A_128, %dma_start3A_139] : memref<624x16384xf32, #tpu.memory_space<hbm>> -> memref<1x2048xf32, #tpu.memory_space<hbm>>
        %dma_start3A_141 = tpu.memref_squeeze %dma_start3A_140 : memref<1x2048xf32, #tpu.memory_space<hbm>> -> memref<2048xf32, #tpu.memory_space<hbm>>
        %dma_start3A_142 = arith.constant 2048 : i32
        %dma_start3A_143 = tpu.memref_slice %arg4[%add3A_128, %dma_start3A_142] : memref<624x16384xf32, #tpu.memory_space<hbm>> -> memref<1x2048xf32, #tpu.memory_space<hbm>>
        %dma_start3A_144 = tpu.memref_squeeze %dma_start3A_143 : memref<1x2048xf32, #tpu.memory_space<hbm>> -> memref<2048xf32, #tpu.memory_space<hbm>>
        tpu.enqueue_dma source(%arg8 : memref<2048xf32, #tpu.memory_space<vmem>>) target(%dma_start3A_144 : memref<2048xf32, #tpu.memory_space<hbm>>) target_semaphore(%arg10 : memref<!tpu.dma_semaphore, #tpu.memory_space<semaphore_mem>>)
        %dma_wait3A = arith.constant 0 : i32
        %dma_wait3A_145 = tpu.memref_slice %arg4[%add3A_128, %dma_wait3A] : memref<624x16384xf32, #tpu.memory_space<hbm>> -> memref<1x2048xf32, #tpu.memory_space<hbm>>
        %dma_wait3A_146 = tpu.memref_squeeze %dma_wait3A_145 : memref<1x2048xf32, #tpu.memory_space<hbm>> -> memref<2048xf32, #tpu.memory_space<hbm>>
        %dma_wait3A_147 = arith.constant 0 : i32
        %dma_wait3A_148 = tpu.memref_slice %arg4[%add3A_128, %dma_wait3A_147] : memref<624x16384xf32, #tpu.memory_space<hbm>> -> memref<1x2048xf32, #tpu.memory_space<hbm>>
        %dma_wait3A_149 = tpu.memref_squeeze %dma_wait3A_148 : memref<1x2048xf32, #tpu.memory_space<hbm>> -> memref<2048xf32, #tpu.memory_space<hbm>>
        tpu.wait_dma2 semaphore(%arg9 : memref<!tpu.dma_semaphore, #tpu.memory_space<semaphore_mem>>) src(%arg7 : memref<2048xf32, #tpu.memory_space<vmem>>) dst(%dma_wait3A_149 : memref<2048xf32, #tpu.memory_space<hbm>>)
        %parallel_loop3A_150 = arith.constant 4096 : i32
        %parallel_loop3A_151 = arith.constant 6144 : i32
        %parallel_loop3A_152 = arith.constant 16 : i32
        scf.for %parallel_loop3A_246 = %parallel_loop3A_150 to %parallel_loop3A_151 step %parallel_loop3A_152  : i32 {
          %parallel_loop3A_247 = arith.index_cast %parallel_loop3A_246 : i32 to index
          %parallel_loop3A_248 = tpu.vector_load %arg6[%parallel_loop3A_247] {strides = array<i32>} : memref<16384xi32, #tpu.memory_space<vmem>>, vector<16xi32>,
          %parallel_loop3A_249 = tpu.vector_load_idx %arg5[%parallel_loop3A_248] : memref<100000xf32, #tpu.memory_space<vmem>>[vector<16xi32>], vector<16xf32>,
          %parallel_loop3A_250 = arith.constant 4096 : i32
          %parallel_loop3A_251 = arith.subi %parallel_loop3A_246, %parallel_loop3A_250 : i32
          %parallel_loop3A_252 = arith.index_cast %parallel_loop3A_251 : i32 to index
          %parallel_loop3A_253 = tpu.vector_load %arg7[%parallel_loop3A_252] {strides = array<i32>} : memref<2048xf32, #tpu.memory_space<vmem>>, vector<16xf32>,
          tpu.vector_store %arg7[%parallel_loop3A_252], %parallel_loop3A_249 {strides = array<i32>} : memref<2048xf32, #tpu.memory_space<vmem>>, vector<16xf32>,
        } {sc.loop_unroll_factor = 16 : i64, sc.parallel_access}
        %dma_start3A_153 = arith.constant 4096 : i32
        %dma_start3A_154 = tpu.memref_slice %arg4[%add3A_128, %dma_start3A_153] : memref<624x16384xf32, #tpu.memory_space<hbm>> -> memref<1x2048xf32, #tpu.memory_space<hbm>>
        %dma_start3A_155 = tpu.memref_squeeze %dma_start3A_154 : memref<1x2048xf32, #tpu.memory_space<hbm>> -> memref<2048xf32, #tpu.memory_space<hbm>>
        %dma_start3A_156 = arith.constant 4096 : i32
        %dma_start3A_157 = tpu.memref_slice %arg4[%add3A_128, %dma_start3A_156] : memref<624x16384xf32, #tpu.memory_space<hbm>> -> memref<1x2048xf32, #tpu.memory_space<hbm>>
        %dma_start3A_158 = tpu.memref_squeeze %dma_start3A_157 : memref<1x2048xf32, #tpu.memory_space<hbm>> -> memref<2048xf32, #tpu.memory_space<hbm>>
        tpu.enqueue_dma source(%arg7 : memref<2048xf32, #tpu.memory_space<vmem>>) target(%dma_start3A_158 : memref<2048xf32, #tpu.memory_space<hbm>>) target_semaphore(%arg9 : memref<!tpu.dma_semaphore, #tpu.memory_space<semaphore_mem>>)
        %dma_wait3A_159 = arith.constant 2048 : i32
        %dma_wait3A_160 = tpu.memref_slice %arg4[%add3A_128, %dma_wait3A_159] : memref<624x16384xf32, #tpu.memory_space<hbm>> -> memref<1x2048xf32, #tpu.memory_space<hbm>>
        %dma_wait3A_161 = tpu.memref_squeeze %dma_wait3A_160 : memref<1x2048xf32, #tpu.memory_space<hbm>> -> memref<2048xf32, #tpu.memory_space<hbm>>
        %dma_wait3A_162 = arith.constant 2048 : i32
        %dma_wait3A_163 = tpu.memref_slice %arg4[%add3A_128, %dma_wait3A_162] : memref<624x16384xf32, #tpu.memory_space<hbm>> -> memref<1x2048xf32, #tpu.memory_space<hbm>>
        %dma_wait3A_164 = tpu.memref_squeeze %dma_wait3A_163 : memref<1x2048xf32, #tpu.memory_space<hbm>> -> memref<2048xf32, #tpu.memory_space<hbm>>
        tpu.wait_dma2 semaphore(%arg10 : memref<!tpu.dma_semaphore, #tpu.memory_space<semaphore_mem>>) src(%arg8 : memref<2048xf32, #tpu.memory_space<vmem>>) dst(%dma_wait3A_164 : memref<2048xf32, #tpu.memory_space<hbm>>)
        %parallel_loop3A_165 = arith.constant 6144 : i32
        %parallel_loop3A_166 = arith.constant 8192 : i32
        %parallel_loop3A_167 = arith.constant 16 : i32
        scf.for %parallel_loop3A_246 = %parallel_loop3A_165 to %parallel_loop3A_166 step %parallel_loop3A_167  : i32 {
          %parallel_loop3A_247 = arith.index_cast %parallel_loop3A_246 : i32 to index
          %parallel_loop3A_248 = tpu.vector_load %arg6[%parallel_loop3A_247] {strides = array<i32>} : memref<16384xi32, #tpu.memory_space<vmem>>, vector<16xi32>,
          %parallel_loop3A_249 = tpu.vector_load_idx %arg5[%parallel_loop3A_248] : memref<100000xf32, #tpu.memory_space<vmem>>[vector<16xi32>], vector<16xf32>,
          %parallel_loop3A_250 = arith.constant 6144 : i32
          %parallel_loop3A_251 = arith.subi %parallel_loop3A_246, %parallel_loop3A_250 : i32
          %parallel_loop3A_252 = arith.index_cast %parallel_loop3A_251 : i32 to index
          %parallel_loop3A_253 = tpu.vector_load %arg8[%parallel_loop3A_252] {strides = array<i32>} : memref<2048xf32, #tpu.memory_space<vmem>>, vector<16xf32>,
          tpu.vector_store %arg8[%parallel_loop3A_252], %parallel_loop3A_249 {strides = array<i32>} : memref<2048xf32, #tpu.memory_space<vmem>>, vector<16xf32>,
        } {sc.loop_unroll_factor = 16 : i64, sc.parallel_access}
        %dma_start3A_168 = arith.constant 6144 : i32
        %dma_start3A_169 = tpu.memref_slice %arg4[%add3A_128, %dma_start3A_168] : memref<624x16384xf32, #tpu.memory_space<hbm>> -> memref<1x2048xf32, #tpu.memory_space<hbm>>
        %dma_start3A_170 = tpu.memref_squeeze %dma_start3A_169 : memref<1x2048xf32, #tpu.memory_space<hbm>> -> memref<2048xf32, #tpu.memory_space<hbm>>
        %dma_start3A_171 = arith.constant 6144 : i32
        %dma_start3A_172 = tpu.memref_slice %arg4[%add3A_128, %dma_start3A_171] : memref<624x16384xf32, #tpu.memory_space<hbm>> -> memref<1x2048xf32, #tpu.memory_space<hbm>>
        %dma_start3A_173 = tpu.memref_squeeze %dma_start3A_172 : memref<1x2048xf32, #tpu.memory_space<hbm>> -> memref<2048xf32, #tpu.memory_space<hbm>>
        tpu.enqueue_dma source(%arg8 : memref<2048xf32, #tpu.memory_space<vmem>>) target(%dma_start3A_173 : memref<2048xf32, #tpu.memory_space<hbm>>) target_semaphore(%arg10 : memref<!tpu.dma_semaphore, #tpu.memory_space<semaphore_mem>>)
        %dma_wait3A_174 = arith.constant 4096 : i32
        %dma_wait3A_175 = tpu.memref_slice %arg4[%add3A_128, %dma_wait3A_174] : memref<624x16384xf32, #tpu.memory_space<hbm>> -> memref<1x2048xf32, #tpu.memory_space<hbm>>
        %dma_wait3A_176 = tpu.memref_squeeze %dma_wait3A_175 : memref<1x2048xf32, #tpu.memory_space<hbm>> -> memref<2048xf32, #tpu.memory_space<hbm>>
        %dma_wait3A_177 = arith.constant 4096 : i32
        %dma_wait3A_178 = tpu.memref_slice %arg4[%add3A_128, %dma_wait3A_177] : memref<624x16384xf32, #tpu.memory_space<hbm>> -> memref<1x2048xf32, #tpu.memory_space<hbm>>
        %dma_wait3A_179 = tpu.memref_squeeze %dma_wait3A_178 : memref<1x2048xf32, #tpu.memory_space<hbm>> -> memref<2048xf32, #tpu.memory_space<hbm>>
        tpu.wait_dma2 semaphore(%arg9 : memref<!tpu.dma_semaphore, #tpu.memory_space<semaphore_mem>>) src(%arg7 : memref<2048xf32, #tpu.memory_space<vmem>>) dst(%dma_wait3A_179 : memref<2048xf32, #tpu.memory_space<hbm>>)
        %parallel_loop3A_180 = arith.constant 8192 : i32
        %parallel_loop3A_181 = arith.constant 10240 : i32
        %parallel_loop3A_182 = arith.constant 16 : i32
        scf.for %parallel_loop3A_246 = %parallel_loop3A_180 to %parallel_loop3A_181 step %parallel_loop3A_182  : i32 {
          %parallel_loop3A_247 = arith.index_cast %parallel_loop3A_246 : i32 to index
          %parallel_loop3A_248 = tpu.vector_load %arg6[%parallel_loop3A_247] {strides = array<i32>} : memref<16384xi32, #tpu.memory_space<vmem>>, vector<16xi32>,
          %parallel_loop3A_249 = tpu.vector_load_idx %arg5[%parallel_loop3A_248] : memref<100000xf32, #tpu.memory_space<vmem>>[vector<16xi32>], vector<16xf32>,
          %parallel_loop3A_250 = arith.constant 8192 : i32
          %parallel_loop3A_251 = arith.subi %parallel_loop3A_246, %parallel_loop3A_250 : i32
          %parallel_loop3A_252 = arith.index_cast %parallel_loop3A_251 : i32 to index
          %parallel_loop3A_253 = tpu.vector_load %arg7[%parallel_loop3A_252] {strides = array<i32>} : memref<2048xf32, #tpu.memory_space<vmem>>, vector<16xf32>,
          tpu.vector_store %arg7[%parallel_loop3A_252], %parallel_loop3A_249 {strides = array<i32>} : memref<2048xf32, #tpu.memory_space<vmem>>, vector<16xf32>,
        } {sc.loop_unroll_factor = 16 : i64, sc.parallel_access}
        %dma_start3A_183 = arith.constant 8192 : i32
        %dma_start3A_184 = tpu.memref_slice %arg4[%add3A_128, %dma_start3A_183] : memref<624x16384xf32, #tpu.memory_space<hbm>> -> memref<1x2048xf32, #tpu.memory_space<hbm>>
        %dma_start3A_185 = tpu.memref_squeeze %dma_start3A_184 : memref<1x2048xf32, #tpu.memory_space<hbm>> -> memref<2048xf32, #tpu.memory_space<hbm>>
        %dma_start3A_186 = arith.constant 8192 : i32
        %dma_start3A_187 = tpu.memref_slice %arg4[%add3A_128, %dma_start3A_186] : memref<624x16384xf32, #tpu.memory_space<hbm>> -> memref<1x2048xf32, #tpu.memory_space<hbm>>
        %dma_start3A_188 = tpu.memref_squeeze %dma_start3A_187 : memref<1x2048xf32, #tpu.memory_space<hbm>> -> memref<2048xf32, #tpu.memory_space<hbm>>
        tpu.enqueue_dma source(%arg7 : memref<2048xf32, #tpu.memory_space<vmem>>) target(%dma_start3A_188 : memref<2048xf32, #tpu.memory_space<hbm>>) target_semaphore(%arg9 : memref<!tpu.dma_semaphore, #tpu.memory_space<semaphore_mem>>)
        %dma_wait3A_189 = arith.constant 6144 : i32
        %dma_wait3A_190 = tpu.memref_slice %arg4[%add3A_128, %dma_wait3A_189] : memref<624x16384xf32, #tpu.memory_space<hbm>> -> memref<1x2048xf32, #tpu.memory_space<hbm>>
        %dma_wait3A_191 = tpu.memref_squeeze %dma_wait3A_190 : memref<1x2048xf32, #tpu.memory_space<hbm>> -> memref<2048xf32, #tpu.memory_space<hbm>>
        %dma_wait3A_192 = arith.constant 6144 : i32
        %dma_wait3A_193 = tpu.memref_slice %arg4[%add3A_128, %dma_wait3A_192] : memref<624x16384xf32, #tpu.memory_space<hbm>> -> memref<1x2048xf32, #tpu.memory_space<hbm>>
        %dma_wait3A_194 = tpu.memref_squeeze %dma_wait3A_193 : memref<1x2048xf32, #tpu.memory_space<hbm>> -> memref<2048xf32, #tpu.memory_space<hbm>>
        tpu.wait_dma2 semaphore(%arg10 : memref<!tpu.dma_semaphore, #tpu.memory_space<semaphore_mem>>) src(%arg8 : memref<2048xf32, #tpu.memory_space<vmem>>) dst(%dma_wait3A_194 : memref<2048xf32, #tpu.memory_space<hbm>>)
        %parallel_loop3A_195 = arith.constant 10240 : i32
        %parallel_loop3A_196 = arith.constant 12288 : i32
        %parallel_loop3A_197 = arith.constant 16 : i32
        scf.for %parallel_loop3A_246 = %parallel_loop3A_195 to %parallel_loop3A_196 step %parallel_loop3A_197  : i32 {
          %parallel_loop3A_247 = arith.index_cast %parallel_loop3A_246 : i32 to index
          %parallel_loop3A_248 = tpu.vector_load %arg6[%parallel_loop3A_247] {strides = array<i32>} : memref<16384xi32, #tpu.memory_space<vmem>>, vector<16xi32>,
          %parallel_loop3A_249 = tpu.vector_load_idx %arg5[%parallel_loop3A_248] : memref<100000xf32, #tpu.memory_space<vmem>>[vector<16xi32>], vector<16xf32>,
          %parallel_loop3A_250 = arith.constant 10240 : i32
          %parallel_loop3A_251 = arith.subi %parallel_loop3A_246, %parallel_loop3A_250 : i32
          %parallel_loop3A_252 = arith.index_cast %parallel_loop3A_251 : i32 to index
          %parallel_loop3A_253 = tpu.vector_load %arg8[%parallel_loop3A_252] {strides = array<i32>} : memref<2048xf32, #tpu.memory_space<vmem>>, vector<16xf32>,
          tpu.vector_store %arg8[%parallel_loop3A_252], %parallel_loop3A_249 {strides = array<i32>} : memref<2048xf32, #tpu.memory_space<vmem>>, vector<16xf32>,
        } {sc.loop_unroll_factor = 16 : i64, sc.parallel_access}
        %dma_start3A_198 = arith.constant 10240 : i32
        %dma_start3A_199 = tpu.memref_slice %arg4[%add3A_128, %dma_start3A_198] : memref<624x16384xf32, #tpu.memory_space<hbm>> -> memref<1x2048xf32, #tpu.memory_space<hbm>>
        %dma_start3A_200 = tpu.memref_squeeze %dma_start3A_199 : memref<1x2048xf32, #tpu.memory_space<hbm>> -> memref<2048xf32, #tpu.memory_space<hbm>>
        %dma_start3A_201 = arith.constant 10240 : i32
        %dma_start3A_202 = tpu.memref_slice %arg4[%add3A_128, %dma_start3A_201] : memref<624x16384xf32, #tpu.memory_space<hbm>> -> memref<1x2048xf32, #tpu.memory_space<hbm>>
        %dma_start3A_203 = tpu.memref_squeeze %dma_start3A_202 : memref<1x2048xf32, #tpu.memory_space<hbm>> -> memref<2048xf32, #tpu.memory_space<hbm>>
        tpu.enqueue_dma source(%arg8 : memref<2048xf32, #tpu.memory_space<vmem>>) target(%dma_start3A_203 : memref<2048xf32, #tpu.memory_space<hbm>>) target_semaphore(%arg10 : memref<!tpu.dma_semaphore, #tpu.memory_space<semaphore_mem>>)
        %dma_wait3A_204 = arith.constant 8192 : i32
        %dma_wait3A_205 = tpu.memref_slice %arg4[%add3A_128, %dma_wait3A_204] : memref<624x16384xf32, #tpu.memory_space<hbm>> -> memref<1x2048xf32, #tpu.memory_space<hbm>>
        %dma_wait3A_206 = tpu.memref_squeeze %dma_wait3A_205 : memref<1x2048xf32, #tpu.memory_space<hbm>> -> memref<2048xf32, #tpu.memory_space<hbm>>
        %dma_wait3A_207 = arith.constant 8192 : i32
        %dma_wait3A_208 = tpu.memref_slice %arg4[%add3A_128, %dma_wait3A_207] : memref<624x16384xf32, #tpu.memory_space<hbm>> -> memref<1x2048xf32, #tpu.memory_space<hbm>>
        %dma_wait3A_209 = tpu.memref_squeeze %dma_wait3A_208 : memref<1x2048xf32, #tpu.memory_space<hbm>> -> memref<2048xf32, #tpu.memory_space<hbm>>
        tpu.wait_dma2 semaphore(%arg9 : memref<!tpu.dma_semaphore, #tpu.memory_space<semaphore_mem>>) src(%arg7 : memref<2048xf32, #tpu.memory_space<vmem>>) dst(%dma_wait3A_209 : memref<2048xf32, #tpu.memory_space<hbm>>)
        %parallel_loop3A_210 = arith.constant 12288 : i32
        %parallel_loop3A_211 = arith.constant 14336 : i32
        %parallel_loop3A_212 = arith.constant 16 : i32
        scf.for %parallel_loop3A_246 = %parallel_loop3A_210 to %parallel_loop3A_211 step %parallel_loop3A_212  : i32 {
          %parallel_loop3A_247 = arith.index_cast %parallel_loop3A_246 : i32 to index
          %parallel_loop3A_248 = tpu.vector_load %arg6[%parallel_loop3A_247] {strides = array<i32>} : memref<16384xi32, #tpu.memory_space<vmem>>, vector<16xi32>,
          %parallel_loop3A_249 = tpu.vector_load_idx %arg5[%parallel_loop3A_248] : memref<100000xf32, #tpu.memory_space<vmem>>[vector<16xi32>], vector<16xf32>,
          %parallel_loop3A_250 = arith.constant 12288 : i32
          %parallel_loop3A_251 = arith.subi %parallel_loop3A_246, %parallel_loop3A_250 : i32
          %parallel_loop3A_252 = arith.index_cast %parallel_loop3A_251 : i32 to index
          %parallel_loop3A_253 = tpu.vector_load %arg7[%parallel_loop3A_252] {strides = array<i32>} : memref<2048xf32, #tpu.memory_space<vmem>>, vector<16xf32>,
          tpu.vector_store %arg7[%parallel_loop3A_252], %parallel_loop3A_249 {strides = array<i32>} : memref<2048xf32, #tpu.memory_space<vmem>>, vector<16xf32>,
        } {sc.loop_unroll_factor = 16 : i64, sc.parallel_access}
        %dma_start3A_213 = arith.constant 12288 : i32
        %dma_start3A_214 = tpu.memref_slice %arg4[%add3A_128, %dma_start3A_213] : memref<624x16384xf32, #tpu.memory_space<hbm>> -> memref<1x2048xf32, #tpu.memory_space<hbm>>
        %dma_start3A_215 = tpu.memref_squeeze %dma_start3A_214 : memref<1x2048xf32, #tpu.memory_space<hbm>> -> memref<2048xf32, #tpu.memory_space<hbm>>
        %dma_start3A_216 = arith.constant 12288 : i32
        %dma_start3A_217 = tpu.memref_slice %arg4[%add3A_128, %dma_start3A_216] : memref<624x16384xf32, #tpu.memory_space<hbm>> -> memref<1x2048xf32, #tpu.memory_space<hbm>>
        %dma_start3A_218 = tpu.memref_squeeze %dma_start3A_217 : memref<1x2048xf32, #tpu.memory_space<hbm>> -> memref<2048xf32, #tpu.memory_space<hbm>>
        tpu.enqueue_dma source(%arg7 : memref<2048xf32, #tpu.memory_space<vmem>>) target(%dma_start3A_218 : memref<2048xf32, #tpu.memory_space<hbm>>) target_semaphore(%arg9 : memref<!tpu.dma_semaphore, #tpu.memory_space<semaphore_mem>>)
        %dma_wait3A_219 = arith.constant 10240 : i32
        %dma_wait3A_220 = tpu.memref_slice %arg4[%add3A_128, %dma_wait3A_219] : memref<624x16384xf32, #tpu.memory_space<hbm>> -> memref<1x2048xf32, #tpu.memory_space<hbm>>
        %dma_wait3A_221 = tpu.memref_squeeze %dma_wait3A_220 : memref<1x2048xf32, #tpu.memory_space<hbm>> -> memref<2048xf32, #tpu.memory_space<hbm>>
        %dma_wait3A_222 = arith.constant 10240 : i32
        %dma_wait3A_223 = tpu.memref_slice %arg4[%add3A_128, %dma_wait3A_222] : memref<624x16384xf32, #tpu.memory_space<hbm>> -> memref<1x2048xf32, #tpu.memory_space<hbm>>
        %dma_wait3A_224 = tpu.memref_squeeze %dma_wait3A_223 : memref<1x2048xf32, #tpu.memory_space<hbm>> -> memref<2048xf32, #tpu.memory_space<hbm>>
        tpu.wait_dma2 semaphore(%arg10 : memref<!tpu.dma_semaphore, #tpu.memory_space<semaphore_mem>>) src(%arg8 : memref<2048xf32, #tpu.memory_space<vmem>>) dst(%dma_wait3A_224 : memref<2048xf32, #tpu.memory_space<hbm>>)
        %parallel_loop3A_225 = arith.constant 14336 : i32
        %parallel_loop3A_226 = arith.constant 16384 : i32
        %parallel_loop3A_227 = arith.constant 16 : i32
        scf.for %parallel_loop3A_246 = %parallel_loop3A_225 to %parallel_loop3A_226 step %parallel_loop3A_227  : i32 {
          %parallel_loop3A_247 = arith.index_cast %parallel_loop3A_246 : i32 to index
          %parallel_loop3A_248 = tpu.vector_load %arg6[%parallel_loop3A_247] {strides = array<i32>} : memref<16384xi32, #tpu.memory_space<vmem>>, vector<16xi32>,
          %parallel_loop3A_249 = tpu.vector_load_idx %arg5[%parallel_loop3A_248] : memref<100000xf32, #tpu.memory_space<vmem>>[vector<16xi32>], vector<16xf32>,
          %parallel_loop3A_250 = arith.constant 14336 : i32
          %parallel_loop3A_251 = arith.subi %parallel_loop3A_246, %parallel_loop3A_250 : i32
          %parallel_loop3A_252 = arith.index_cast %parallel_loop3A_251 : i32 to index
          %parallel_loop3A_253 = tpu.vector_load %arg8[%parallel_loop3A_252] {strides = array<i32>} : memref<2048xf32, #tpu.memory_space<vmem>>, vector<16xf32>,
          tpu.vector_store %arg8[%parallel_loop3A_252], %parallel_loop3A_249 {strides = array<i32>} : memref<2048xf32, #tpu.memory_space<vmem>>, vector<16xf32>,
        } {sc.loop_unroll_factor = 16 : i64, sc.parallel_access}
        %dma_start3A_228 = arith.constant 14336 : i32
        %dma_start3A_229 = tpu.memref_slice %arg4[%add3A_128, %dma_start3A_228] : memref<624x16384xf32, #tpu.memory_space<hbm>> -> memref<1x2048xf32, #tpu.memory_space<hbm>>
        %dma_start3A_230 = tpu.memref_squeeze %dma_start3A_229 : memref<1x2048xf32, #tpu.memory_space<hbm>> -> memref<2048xf32, #tpu.memory_space<hbm>>
        %dma_start3A_231 = arith.constant 14336 : i32
        %dma_start3A_232 = tpu.memref_slice %arg4[%add3A_128, %dma_start3A_231] : memref<624x16384xf32, #tpu.memory_space<hbm>> -> memref<1x2048xf32, #tpu.memory_space<hbm>>
        %dma_start3A_233 = tpu.memref_squeeze %dma_start3A_232 : memref<1x2048xf32, #tpu.memory_space<hbm>> -> memref<2048xf32, #tpu.memory_space<hbm>>
        tpu.enqueue_dma source(%arg8 : memref<2048xf32, #tpu.memory_space<vmem>>) target(%dma_start3A_233 : memref<2048xf32, #tpu.memory_space<hbm>>) target_semaphore(%arg10 : memref<!tpu.dma_semaphore, #tpu.memory_space<semaphore_mem>>)
        %dma_wait3A_234 = arith.constant 12288 : i32
        %dma_wait3A_235 = tpu.memref_slice %arg4[%add3A_128, %dma_wait3A_234] : memref<624x16384xf32, #tpu.memory_space<hbm>> -> memref<1x2048xf32, #tpu.memory_space<hbm>>
        %dma_wait3A_236 = tpu.memref_squeeze %dma_wait3A_235 : memref<1x2048xf32, #tpu.memory_space<hbm>> -> memref<2048xf32, #tpu.memory_space<hbm>>
        %dma_wait3A_237 = arith.constant 12288 : i32
        %dma_wait3A_238 = tpu.memref_slice %arg4[%add3A_128, %dma_wait3A_237] : memref<624x16384xf32, #tpu.memory_space<hbm>> -> memref<1x2048xf32, #tpu.memory_space<hbm>>
        %dma_wait3A_239 = tpu.memref_squeeze %dma_wait3A_238 : memref<1x2048xf32, #tpu.memory_space<hbm>> -> memref<2048xf32, #tpu.memory_space<hbm>>
        tpu.wait_dma2 semaphore(%arg9 : memref<!tpu.dma_semaphore, #tpu.memory_space<semaphore_mem>>) src(%arg7 : memref<2048xf32, #tpu.memory_space<vmem>>) dst(%dma_wait3A_239 : memref<2048xf32, #tpu.memory_space<hbm>>)
        %dma_wait3A_240 = arith.constant 14336 : i32
        %dma_wait3A_241 = tpu.memref_slice %arg4[%add3A_128, %dma_wait3A_240] : memref<624x16384xf32, #tpu.memory_space<hbm>> -> memref<1x2048xf32, #tpu.memory_space<hbm>>
        %dma_wait3A_242 = tpu.memref_squeeze %dma_wait3A_241 : memref<1x2048xf32, #tpu.memory_space<hbm>> -> memref<2048xf32, #tpu.memory_space<hbm>>
        %dma_wait3A_243 = arith.constant 14336 : i32
        %dma_wait3A_244 = tpu.memref_slice %arg4[%add3A_128, %dma_wait3A_243] : memref<624x16384xf32, #tpu.memory_space<hbm>> -> memref<1x2048xf32, #tpu.memory_space<hbm>>
        %dma_wait3A_245 = tpu.memref_squeeze %dma_wait3A_244 : memref<1x2048xf32, #tpu.memory_space<hbm>> -> memref<2048xf32, #tpu.memory_space<hbm>>
        tpu.wait_dma2 semaphore(%arg10 : memref<!tpu.dma_semaphore, #tpu.memory_space<semaphore_mem>>) src(%arg8 : memref<2048xf32, #tpu.memory_space<vmem>>) dst(%dma_wait3A_245 : memref<2048xf32, #tpu.memory_space<hbm>>)
      }
    }
    return
  }
}

</mosaic_0001>

<sc_bundles>
// kernel: kernel.3.cloned.1.call-start
scs
__scs_entry_jumppad:
0x0: {  	(pc) =	sbr.rel $0x88, $3  }
0x1: {  	(tag) =	ssettag $0x0;
	lr =	simm.s32 $0x1  }
0x2: {  	[smem:$0x3F9F] =	sst lr;
	_ =	strace $0xD0000000  }
0x3: {  	_ = 	snop  }
0x4: {  	_ = 	snop  }
0x5: {  	_ = 	snop  }
0x6: {  	_ = 	snop  }
0x7: {  	_ = 	snop  }
__scs_overlays_trampoline_lowered:
0x8: {  	[smem:$0x3FAE] =	sst s0  }
0x9: {  	[smem:$0x3FAF] =	sst s1  }
0xa: {  	[smem:$0x3FB0] =	sst s2  }
0xb: {  	[smem:$0x3FB1] =	sst s3  }
0xc: {  	[smem:$0x3FB2] =	sst s4  }
0xd: {  	[smem:$0x3FB3] =	sst s5  }
0xe: {  	[smem:$0x3FB4] =	sst s6  }
0xf: {  	[smem:$0x3FB5] =	sst s7  }
0x10: {  	[smem:$0x3FB6] =	sst s8  }
0x11: {  	[smem:$0x3FB7] =	sst s9;
	s0 =	simm.s32 @!p0 $0x0  }
0x12: {  	s1 =	sld [smem:$0x3F9D];
	s0 =	simm.s32 @p0 $0x1  }
0x13: {  	[smem:$0x3FB8] =	sst s0;
	s0 =	simm.s32 @!p1 $0x0  }
0x14: {  	s2 =	sld [smem:$0x3F9C];
	s0 =	simm.s32 @p1 $0x1  }
0x15: {  	[smem:$0x3FB9] =	sst s0;
	s0 =	simm.s32 @!p2 $0x0  }
0x16: {  	s3 =	sld [smem:$0x3FDB];
	s0 =	simm.s32 @p2 $0x1  }
0x17: {  	s4 =	simm.s32 $0x1BF5;
	[smem:$0x3FBB] =	sst s0  }
0x18: {  	s0 =	sld [smem:$0x3F9E];
	_ =	swait.ge [sflag:s4], $0x0  }
0x19: {  	s7 =	sld [smem:$0x3F9F]  }
0x1a: {  	s8 =	sadd.s32 $0xFFFFE003, lr  }
0x1b: {  	s9 =	sadd.s32 $0xFFFFFEF7, lr;
	s5 =	simm.s32 $0xFFFFFFFF;
	p2 =	slt.u32 s8, $0xFFFFF086  }
0x1c: {  	p1 =	slt.u32 s9, $0xF7A;
	s5 =	simm.s32 @!p2 $0x0  }
0x1d: {  	s5 =	simm.s32 @p1 $0x1;
	p0 =	seq.s32 s7, s2  }
0x1e: {  	s7 =	smul.u32 @!p0 $0xF7A, s2;
	p2 =	seq.s32 @!p0 s5, $0x0  }
0x1f: {  	s9 =	smul.u32 $0xF7A, s1;
	s8 =	simm.s32 @!p0 $0x1BF5;
	p2 =	por !p2, p0  }
0x20: {  	[sflag:s8] =	ssyncset.s32 @!p0 $0xFFFFF086;
	s6 =	sadd.s32 @!p0 s3, s7;
	s7 =	simm.s32 @!p0 $0x108  }
0x21: {  	s3 =	sadd.s32 s3, s9;
	s6 =	sadd.s32 @!p0 $0x88, s6;
	s7 =	simm.s32 @p2 $0x1082  }
0x22: {  	[simem:s7], [sflag:s8] =	dma.local @!p0 [hbm:s6], $0xF7A  }
0x23: {  	s9 =	sor.u32 $0xD0000000, s2;
	s6 =	simm.s32 $0x108;
	_ =	swait.ge @!p0 [sflag:s8], $0x0  }
0x24: {  	s3 =	sadd.s32 $0x88, s3;
	s6 =	simm.s32 @!p1 $0x1082;
	[sflag:s4] =	ssyncset.s32 $0xFFFFF086  }
0x25: {  	[simem:s6], [sflag:s4] =	dma.local [hbm:s3], $0xF7A  }
0x26: {  	[smem:$0x3F9F] =	sst s1;
	(tag) =	ssettag s2;
	_ =	strace s9  }
0x27: {  	s1 =	sld [smem:$0x3FAF]  }
0x28: {  	s2 =	sld [smem:$0x3FB0]  }
0x29: {  	s4 =	sld [smem:$0x3FB2]  }
0x2a: {  	p0 =	seq.s32 s5, $0x0;
	s5 =	sld [smem:$0x3FB3]  }
0x2b: {  	s6 =	sld [smem:$0x3FB4]  }
0x2c: {  	s7 =	sld [smem:$0x3FB5]  }
0x2d: {  	s3 =	simm.s32 $0x108;
	s8 =	sld [smem:$0x3FB6]  }
0x2e: {  	s3 =	simm.s32 @!p0 $0x1082;
	s9 =	sld [smem:$0x3FB7]  }
0x2f: {  	lr =	sadd.s32 s0, s3;
	s0 =	sld [smem:$0x3FAE]  }
0x30: {  	s3 =	sld [smem:$0x3FB1]  }
0x31: {  	[smem:$0x3FBA] =	sst s10  }
0x32: {  	s10 =	sld [smem:$0x3FB8];
	_ =	sdelay $0x3  }
0x33: {  	p0 =	seq.s32 s10, $0x1;
	s10 =	sld [smem:$0x3FBA];
	_ =	sdelay $0x3  }
0x34: {  	[smem:$0x3FBA] =	sst s10  }
0x35: {  	s10 =	sld [smem:$0x3FB9];
	_ =	sdelay $0x3  }
0x36: {  	p1 =	seq.s32 s10, $0x1;
	s10 =	sld [smem:$0x3FBA];
	_ =	sdelay $0x3  }
0x37: {  	[smem:$0x3FBA] =	sst s10  }
0x38: {  	s10 =	sld [smem:$0x3FBB]  }
0x39: {  	_ = 	snop;
	(pc) =	sbr.ind lr, $3  }
0x3a: {  	_ = 	snop  }
0x3b: {  	_ = 	snop  }
0x3c: {  	p2 =	seq.s32 s10, $0x1;
	s10 =	sld [smem:$0x3FBA]  }
0x3d: {  	_ =	shalt  }
0x3e: {  	_ =	shalt  }
0x3f: {  	_ =	shalt  }
0x40: {  	_ =	shalt  }
0x41: {  	_ =	shalt  }
0x42: {  	_ =	shalt  }
0x43: {  	_ =	shalt  }
0x44: {  	_ =	shalt  }
0x45: {  	_ =	shalt  }
0x46: {  	_ =	shalt  }
0x47: {  	_ =	shalt  }
0x48: {  	_ =	shalt  }
0x49: {  	_ =	shalt  }
0x4a: {  	_ =	shalt  }
0x4b: {  	_ =	shalt  }
0x4c: {  	_ =	shalt  }
0x4d: {  	_ =	shalt  }
0x4e: {  	_ =	shalt  }
0x4f: {  	_ =	shalt  }
0x50: {  	_ =	shalt  }
0x51: {  	_ =	shalt  }
0x52: {  	_ =	shalt  }
0x53: {  	_ =	shalt  }
0x54: {  	_ =	shalt  }
0x55: {  	_ =	shalt  }
0x56: {  	_ =	shalt  }
0x57: {  	_ =	shalt  }
0x58: {  	_ =	shalt  }
0x59: {  	_ =	shalt  }
0x5a: {  	_ =	shalt  }
0x5b: {  	_ =	shalt  }
0x5c: {  	_ =	shalt  }
0x5d: {  	_ =	shalt  }
0x5e: {  	_ =	shalt  }
0x5f: {  	_ =	shalt  }
0x60: {  	_ =	shalt  }
0x61: {  	_ =	shalt  }
0x62: {  	_ =	shalt  }
0x63: {  	_ =	shalt  }
0x64: {  	_ =	shalt  }
0x65: {  	_ =	shalt  }
0x66: {  	_ =	shalt  }
0x67: {  	_ =	shalt  }
0x68: {  	_ =	shalt  }
0x69: {  	_ =	shalt  }
0x6a: {  	_ =	shalt  }
0x6b: {  	_ =	shalt  }
0x6c: {  	_ =	shalt  }
0x6d: {  	_ =	shalt  }
0x6e: {  	_ =	shalt  }
0x6f: {  	_ =	shalt  }
0x70: {  	_ =	shalt  }
0x71: {  	_ =	shalt  }
0x72: {  	_ =	shalt  }
0x73: {  	_ =	shalt  }
0x74: {  	_ =	shalt  }
0x75: {  	_ =	shalt  }
0x76: {  	_ =	shalt  }
0x77: {  	_ =	shalt  }
0x78: {  	_ =	shalt  }
0x79: {  	_ =	shalt  }
0x7a: {  	_ =	shalt  }
0x7b: {  	_ =	shalt  }
0x7c: {  	_ =	shalt  }
0x7d: {  	_ =	shalt  }
0x7e: {  	_ =	shalt  }
0x7f: {  	_ =	shalt  }
0x80: {  	_ =	shalt  }
0x81: {  	_ =	shalt  }
0x82: {  	_ =	shalt  }
0x83: {  	_ =	shalt  }
0x84: {  	_ =	shalt  }
0x85: {  	_ =	shalt  }
0x86: {  	_ =	shalt  }
0x87: {  	_ =	shalt  }
.Lfunc_end0:
.L_simem_size_0:
called_computation_lowered:
.L_overlay_start_0:
0x88: {  	s2 =	sld [smem:$0x3FD9]  }
0x89: {  	s3 =	sld [smem:$0x3FFE];
	_ =	sdelay $0x1  }
0x8a: {  	s1 =	srdreg.scid  }
0x8b: {  	s0 =	sand.u32 $0x1, s1  }
0x8c: {  	s18 =	sshll.u32 s0, $0xA;
	s2 =	sadd.s32 s3, s2  }
0x8d: {  	s2 =	sadd.s32 s2, s18  }
0x8e: {  	[smem:$0x3FC6] =	sst s2  }
0x8f: {  	_ = 	snop  }
0x90: {  	s2 =	sld [smem:$0x3FC9]  }
0x91: {  	s19 =	sld [smem:$0x3FC8]  }
0x92: {  	s4 =	sld [smem:$0x3FD0];
	(tm) =	ssettm $0x1  }
0x93: {  	s5 =	sld [smem:$0x3FFB];
	_ =	sdelay $0x3  }
0x94: {  	_ =	strace s5  }
0x95: {  	s5 =	sld [smem:$0x3FFC];
	_ =	sdelay $0x3  }
0x96: {  	_ =	strace s5  }
0x97: {  	s5 =	sld [smem:$0x3FFD];
	_ =	sdelay $0x3  }
0x98: {  	_ =	strace s5  }
0x99: {  	_ =	strace $0x8FFFFFFF  }
0x9a: {  	s20 =	sld [smem:$0x3FDB];
	_ =	sdelay $0x1  }
0x9b: {  	s6 =	simm.s32 $_scs_section_size  }
0x9c: {  	s7 =	simm.s32 $_size__tile_overlayer_lowered;
	s8 =	simm.s32 $_tile_overlayer_lowered  }
0x9d: {  	s23 =	simm.s32 $0x1BFF;
	s22 =	sshll.u32 s8, $0x1;
	s5 =	sadd.s32 s6, s20  }
0x9e: {  	s9 =	simm.s32 $0x0;
	s21 =	sshll.u32 s7, $0x1;
	s7 =	sadd.s32 s22, s5  }
0x9f: {  	[timem:s9], [sflag:s23] =	dma.local [hbm:s7], s21  }
0xa0: {  	_ =	swait.ge [sflag:s23], s21  }
0xa1: {  	s6 =	ssub.s32 $0x0, s21;
	[sflag:s23] =	ssyncset.done $0x0  }
0xa2: {  	[sflag:s23] =	ssyncadd.s32 s6;
	_ =	sdelay $0x1  }
0xa3: {  	s24 =	simm.s32 $0x1B8B  }
0xa4: {  	_ =	swait.ge [sflag:s24], $0x1  }
0xa5: {  	[sflag:s24] =	ssyncset.done $0x0  }
0xa6: {  	s25 =	simm.s32 $0x1B8E;
	[sflag:s24] =	ssyncadd.s32 $0xFFFFFFFF  }
0xa7: {  	s26 =	simm.s32 $execute0_lowered;
	[smem:$0x3FD2] =	sst s25  }
0xa8: {  	s6 =	sshll.u32 s26, $0x1;
	_ =	strace $0x80000046;
	[dreg:$0x1] =	wrdreg $0xFFFFFFFF  }
0xa9: {  	s28 =	simm.s32 $_size_execute0_lowered;
	s5 =	sadd.s32 s5, s6;
	[dreg:$0x0] =	wrdreg $0x0  }
0xaa: {  	s6 =	sshll.u32 s28, $0x1;
	[dreg:$0x2] =	wrdreg s5  }
0xab: {  	[dreg:$0x3] =	wrdreg s6  }
0xac: {  	[dreg:$0x4] =	wrdreg $0xC0  }
0xad: {  	_ =	task [dreg:s9], $0x5FFFF  }
0xae: {  	[dreg:$0x1] =	wrdreg $0xFFFFFFFF  }
0xaf: {  	[dreg:$0x0] =	wrdreg $0x60  }
0xb0: {  	[dreg:$0x2] =	wrdreg s19  }
0xb1: {  	[dreg:$0x3] =	wrdreg s2  }
0xb2: {  	[dreg:$0x4] =	wrdreg s4  }
0xb3: {  	[dreg:$0x5] =	wrdreg $0x9  }
0xb4: {  	_ =	task.clear_ibuf [dreg:s9], $0x6FFFF;
	_ =	strace $0x90000046  }
0xb5: {  	s29 =	simm.s32 $0x9;
	_ =	strace $0x80000048  }
0xb6: {  	_ =	swait.ge [sflag:s29], $0x1  }
0xb7: {  	[sflag:s29] =	ssyncadd.s32 $0xFFFFFFFF  }
0xb8: {  	_ =	strace $0x90000048  }
0xb9: {  	_ =	sfence  }
0xba: {  	s30 =	sld [smem:$0x0];
	_ =	sdelay $0x2  }
0xbb: {  	s31 =	sshll.u32 s1, $0xD;
	s1 =	sshrl.u32 s1, $0x2  }
0xbc: {  	s3 =	sand.u32 $0x4000, s31;
	s1 =	sadd.s32 s1, s30  }
0xbd: {  	s0 =	sor.u32 s3, s0;
	s1 =	sshll.u32 s1, $0x11  }
0xbe: {  	s0 =	sor.u32 s1, s0  }
0xbf: {  	s0 =	sadd.s32 $0x8F2B, s0  }
0xc0: {  	[sflag:s0] =	ssyncadd.remote.s32 $0x1  }
0xc1: {  	_ =	sfence.sel $0xFFFF  }
0xc2: {  	[dreg:$0x0] =	wrdreg $0xFFFFFFFF;
	(pc) =	sbr.abs _section_cstart, $3  }
0xc3: {  	[dreg:$0x1] =	wrdreg $0xFFFFFFFF  }
0xc4: {  	_ =	task.clear_ibuf [dreg:s9], $0x2FFFF;
	_ =	strace $0x9FFFFFFF  }
0xc5: {  	(tm) =	ssettm $0x7FFFFFFF  }
tec
execute0_lowered:
.L_overlay_start_1:
0x0: {  	(tag) =	ssettag $0x1  }
0x1: {  	s0 =	srdreg.scid;
	s1 =	stileid.u32  }
0x2: {  	s0 =	sand.u32 $0x1, s0;
	s1 =	sshll.u32 s1, $0x1  }
0x3: {  	s4 =	sor.u32 s0, s1  }
0x4: {  	s3 =	smul.u32 $0x270, s4;
	_ =	sdelay $0x1  }
0x5: {  	s31 =	sadd.s32 $0x270, s3  }
0x6: {  	s1 =	sshrl.u32 s31, $0x5  }
0x7: {  	s5 =	sadd.s32 $0xFFFFFFFF, s1  }
0x8: {  	s4 =	smul.u32 $0x6800D0, s4;
	s6 =	sand.u32 $0xFFFF, s5  }
0x9: {  	s7 =	smul.u32 $0xAAAB, s6;
	_ =	sdelay $0x1  }
0xa: {  	s4 =	sshrl.u32 s4, $0x17;
	s8 =	sshrl.u32 s7, $0x14  }
0xb: {  	p0 =	sgt.u32 s4, s8  }
.Ltmp0:
0xc: {  	_ = 	snop;
	(pc) =	sbr.rel @!p0 .LBB2_1-.Ltmp0, $4  }
0xd: {  	s2 =	rddreg [dreg:$0x0]  }
0xe: {  	[dreg:$0x4] =	wrdreg s4;
	s6 =	simm.s32 $0x0  }
0xf: {  	[smem:$0x7FF] =	sst s6  }
0x10: {  	s5 =	rddreg [dreg:$0x2];
	_ =	strace $0x80000047  }
.LBB2_24:
0x11: {  	_ =	sfence.sel $0x180000  }
0x12: {  	[bflag:$0x0] =	sbarrier.arrive $0xFFFF  }
0x13: {  	_ =	strace $0x90000047  }
0x14: {  	s0 =	stileid.u32;
	[bflag:$0x2] =	sbarrier.arrive $0xFFFF  }
0x15: {  	p0 =	sne.s32 s0, $0x0;
	s0 =	rddreg [dreg:$0x3]  }
0x16: {  	s0 =	sadd.s32 @!p0 $0x100000, s0  }
0x17: {  	[sflag:s0] =	ssyncadd.tile.s32 @!p0 $0x1;
	_ =	shalt  }
.LBB2_1:
0x18: {  	s9 =	sshrl.u32 s3, $0x5  }
0x19: {  	s0 =	ssub.s32 $0x2, s0;
	s10 =	sadd.s32 $0x800, s5;
	s11 =	sadd.s32 $0x1000, s5  }
0x1a: {  	s12 =	sadd.s32 $0x1800, s5;
	s13 =	sadd.s32 $0x2000, s5;
	s14 =	sadd.s32 $0x2800, s5  }
.Ltmp1:
0x1b: {  	s15 =	sadd.s32 $0x3000, s5;
	s17 =	simm.s32 $0x80;
	(pc) =	sbr.rel .LBB2_2-.Ltmp1, $4  }
0x1c: {  	s18 =	simm.s32 $0x400;
	s19 =	simm.s32 $0x18700;
	s31 =	sshrl.u32 s0, $0x1  }
0x1d: {  	s20 =	simm.s32 $0x3;
	s21 =	simm.s32 $0x1C700;
	s0 =	ssub.s32 s0, s31  }
0x1e: {  	s22 =	simm.s32 $0x1CF00;
	s23 =	simm.s32 $0x1;
	s0 =	smax.u32 s0, $0x1  }
0x1f: {  	s24 =	simm.s32 $0x2;
	s3 =	simm.s32 $0x0;
	[dreg:$0x5] =	wrdreg s0  }
.LBB2_23:
0x20: {  	s3 =	rddreg [dreg:$0x6]  }
0x21: {  	s0 =	rddreg [dreg:$0x5];
	s3 =	sadd.s32 $0x1, s3  }
0x22: {  	p0 =	sne.s32 s3, s0  }
.Ltmp2:
0x23: {  	_ = 	snop;
	(pc) =	sbr.rel @!p0 .LBB2_24-.Ltmp2, $1  }
0x24: {  	_ =	sdelay $0x3  }
.LBB2_2:
.Ltmp3:
0x25: {  	(pc) =	sbr.rel .LBB2_3-.Ltmp3, $3  }
0x26: {  	_ =	sdelay $0x1  }
0x27: {  	[dreg:$0x6] =	wrdreg s3  }
0x28: {  	s26 =	rddreg [dreg:$0x4]  }
.LBB2_22:
0x29: {  	p0 =	sne.s32 s26, s8  }
.Ltmp4:
0x2a: {  	_ = 	snop;
	(pc) =	sbr.rel @!p0 .LBB2_23-.Ltmp4, $3  }
0x2b: {  	_ =	sdelay $0x1  }
0x2c: {  	s0 =	sadd.s32 $0x1, s26  }
0x2d: {  	s26 =	smov.u32 s0  }
.LBB2_3:
0x2e: {  	s28 =	smul.u32 $0x18, s26  }
0x2f: {  	s0 =	sshll.u32 s26, $0xE;
	s3 =	sshll.u32 s26, $0x7  }
0x30: {  	s0 =	sand.u32 $0x7FFE0000, s0;
	s29 =	ssub.s32 s9, s28;
	s30 =	ssub.s32 s1, s28  }
0x31: {  	s3 =	sand.u32 $0x380, s3;
	p0 =	sgt.s32 s29, $0x0;
	p1 =	slt.s32 s30, $0x18  }
0x32: {  	s0 =	sor.u32 s3, s0;
	s29 =	simm.s32 @!p0 $0x0;
	s30 =	simm.s32 @!p1 $0x18  }
0x33: {  	s31 =	rddreg [dreg:$0x1];
	s0 =	sshrl.u32 s0, $0x3;
	p0 =	sge.s32 s29, s30  }
.Ltmp5:
0x34: {  	s0 =	sadd.s32 s31, s0;
	(pc) =	sbr.rel @p0 .LBB2_22-.Ltmp5, $4  }
0x35: {  	[tilespmem:s19], [sflag:$0x3] =	stream.strided.gather [hbm4b:s0+s17], $0x4000, s18, s17, $0x38;
	[tilespmem:$0x1D700] =	vst v63  }
0x36: {  	_ =	swait.ge [sflag:s20], $0x4000  }
0x37: {  	[sflag:s20] =	ssyncset.done $0x0  }
0x38: {  	[sflag:s20] =	ssyncadd.s32 $0xFFFFC000  }
0x39: {  	s31 =	smul.u32 $0x24A800, s26  }
.LBB2_5:
0x3a: {  	s0 =	sshrl.u32 s29, $0x3  }
0x3b: {  	s0 =	smul.u32 $0xC3800, s0  }
0x3c: {  	s3 =	sshll.u32 s29, $0x7  }
0x3d: {  	s3 =	sand.u32 $0x380, s3;
	s0 =	sadd.s32 s31, s0  }
0x3e: {  	s0 =	sor.u32 s3, s0  }
0x3f: {  	s0 =	sshrl.u32 s0, $0x3  }
0x40: {  	s0 =	sadd.s32 s2, s0  }
0x41: {  	[tilespmem:s6], [sflag:$0x3] =	stream.strided.gather [hbm4b:s0+s17], $0x18700, s18, s17, $0x38;
	[tilespmem:$0x1D700] =	vst v63  }
0x42: {  	_ =	swait.ge [sflag:s20], $0x18700  }
0x43: {  	[sflag:s20] =	ssyncset.done $0x0  }
0x44: {  	s25 =	simm.s32 $0x18780;
	[sflag:s20] =	ssyncadd.s32 $0xFFFE7900  }
0x45: {  	v0 =	vld [tilespmem:s25+$0x70]  }
0x46: {  	v1 =	vld [tilespmem:s25+$0xFFFFFF90]  }
0x47: {  	v2 =	vld [tilespmem:s25+$0xFFFFFFA0]  }
0x48: {  	v3 =	vld [tilespmem:s25+$0xFFFFFFB0]  }
0x49: {  	v4 =	vld [tilespmem:s25+$0xFFFFFFC0]  }
0x4a: {  	v5 =	vld [tilespmem:s25+$0xFFFFFFD0]  }
0x4b: {  	v6 =	vld [tilespmem:s25+$0xFFFFFFE0]  }
0x4c: {  	v7 =	vld [tilespmem:s25+$0xFFFFFFF0]  }
0x4d: {  	v8 =	vld [tilespmem:s25+$0x0]  }
0x4e: {  	v9 =	vld [tilespmem:s25+$0x10]  }
0x4f: {  	v10 =	vld [tilespmem:s25+$0x20]  }
0x50: {  	v11 =	vld [tilespmem:s25+$0x30]  }
0x51: {  	v12 =	vld [tilespmem:s25+$0x40]  }
0x52: {  	v13 =	vld [tilespmem:s25+$0x50]  }
0x53: {  	v14 =	vld [tilespmem:s25+$0x60]  }
0x54: {  	v15 =	vld [tilespmem:s25+$0xFFFFFF80]  }
0x55: {  	v0 =	vld.idx.msk [tilespmem:v0+s6+$0x0], $0xffff  }
0x56: {  	v1 =	vld.idx.msk [tilespmem:v1+s6+$0x0], $0xffff  }
0x57: {  	v2 =	vld.idx.msk [tilespmem:v2+s6+$0x0], $0xffff  }
0x58: {  	v3 =	vld.idx.msk [tilespmem:v3+s6+$0x0], $0xffff  }
0x59: {  	v4 =	vld.idx.msk [tilespmem:v4+s6+$0x0], $0xffff  }
0x5a: {  	s7 =	simm.s32 $0x1C780;
	v5 =	vld.idx.msk [tilespmem:v5+s6+$0x0], $0xffff  }
0x5b: {  	v6 =	vld.idx.msk [tilespmem:v6+s6+$0x0], $0xffff;
	[tilespmem:s7+$0x70] =	vst v0  }
0x5c: {  	v7 =	vld.idx.msk [tilespmem:v7+s6+$0x0], $0xffff;
	[tilespmem:s7+$0xFFFFFF90] =	vst v1  }
0x5d: {  	v15 =	vld.idx.msk [tilespmem:v15+s6+$0x0], $0xffff;
	[tilespmem:s7+$0xFFFFFFA0] =	vst v2  }
0x5e: {  	v8 =	vld.idx.msk [tilespmem:v8+s6+$0x0], $0xffff;
	[tilespmem:s7+$0xFFFFFFB0] =	vst v3  }
0x5f: {  	[tilespmem:s7+$0xFFFFFFC0] =	vst v4;
	v4 =	vld.idx.msk [tilespmem:v9+s6+$0x0], $0xffff  }
0x60: {  	[tilespmem:s7+$0xFFFFFFD0] =	vst v5;
	v0 =	vld.idx.msk [tilespmem:v10+s6+$0x0], $0xffff  }
0x61: {  	[tilespmem:s7+$0xFFFFFFE0] =	vst v6;
	v1 =	vld.idx.msk [tilespmem:v11+s6+$0x0], $0xffff  }
0x62: {  	[tilespmem:s7+$0xFFFFFFF0] =	vst v7;
	v2 =	vld.idx.msk [tilespmem:v12+s6+$0x0], $0xffff  }
0x63: {  	[tilespmem:s7+$0xFFFFFF80] =	vst v15;
	v3 =	vld.idx.msk [tilespmem:v13+s6+$0x0], $0xffff  }
0x64: {  	s16 =	simm.s32 $0x18880;
	s0 =	simm.s32 $0x0;
	[tilespmem:s7+$0x0] =	vst v8;
	v5 =	vld.idx.msk [tilespmem:v14+s6+$0x0], $0xffff  }
.LBB2_6:
0x65: {  	v6 =	vld [tilespmem:s16+$0x70];
	s0 =	sadd.s32 $0x100, s0;
	[tilespmem:s7+$0x10] =	vst v4  }
0x66: {  	v4 =	vld [tilespmem:s16+$0xFFFFFF90];
	p0 =	slt.u32 s0, $0x700;
	[tilespmem:s7+$0x20] =	vst v0  }
0x67: {  	v0 =	vld [tilespmem:s16+$0xFFFFFFA0];
	[tilespmem:s7+$0x30] =	vst v1  }
0x68: {  	v1 =	vld [tilespmem:s16+$0xFFFFFFB0];
	[tilespmem:s7+$0x40] =	vst v2  }
0x69: {  	v2 =	vld [tilespmem:s16+$0xFFFFFFC0];
	[tilespmem:s7+$0x50] =	vst v3  }
0x6a: {  	v3 =	vld [tilespmem:s16+$0xFFFFFFD0];
	[tilespmem:s7+$0x60] =	vst v5  }
0x6b: {  	v5 =	vld [tilespmem:s16+$0xFFFFFFE0]  }
0x6c: {  	v7 =	vld [tilespmem:s16+$0xFFFFFFF0]  }
0x6d: {  	v6 =	vld.idx.msk [tilespmem:v6+s6+$0x0], $0xffff  }
0x6e: {  	v8 =	vld [tilespmem:s16+$0x0]  }
0x6f: {  	v9 =	vld [tilespmem:s16+$0x10]  }
0x70: {  	v10 =	vld [tilespmem:s16+$0x20]  }
0x71: {  	v11 =	vld [tilespmem:s16+$0x30]  }
0x72: {  	s7 =	sadd.s32 $0x100, s7;
	v12 =	vld [tilespmem:s16+$0x40]  }
0x73: {  	v13 =	vld [tilespmem:s16+$0x50];
	[tilespmem:s7+$0x70] =	vst v6  }
0x74: {  	v6 =	vld [tilespmem:s16+$0x60]  }
0x75: {  	v14 =	vld [tilespmem:s16+$0xFFFFFF80]  }
0x76: {  	v4 =	vld.idx.msk [tilespmem:v4+s6+$0x0], $0xffff  }
0x77: {  	v0 =	vld.idx.msk [tilespmem:v0+s6+$0x0], $0xffff  }
0x78: {  	v1 =	vld.idx.msk [tilespmem:v1+s6+$0x0], $0xffff  }
0x79: {  	v2 =	vld.idx.msk [tilespmem:v2+s6+$0x0], $0xffff  }
0x7a: {  	v3 =	vld.idx.msk [tilespmem:v3+s6+$0x0], $0xffff  }
0x7b: {  	v5 =	vld.idx.msk [tilespmem:v5+s6+$0x0], $0xffff  }
0x7c: {  	[tilespmem:s7+$0xFFFFFF90] =	vst v4;
	v7 =	vld.idx.msk [tilespmem:v7+s6+$0x0], $0xffff  }
0x7d: {  	v14 =	vld.idx.msk [tilespmem:v14+s6+$0x0], $0xffff;
	[tilespmem:s7+$0xFFFFFFA0] =	vst v0  }
0x7e: {  	[tilespmem:s7+$0xFFFFFFB0] =	vst v1;
	v8 =	vld.idx.msk [tilespmem:v8+s6+$0x0], $0xffff  }
0x7f: {  	[tilespmem:s7+$0xFFFFFFC0] =	vst v2;
	v4 =	vld.idx.msk [tilespmem:v9+s6+$0x0], $0xffff  }
.Ltmp6:
0x80: {  	[tilespmem:s7+$0xFFFFFFD0] =	vst v3;
	v0 =	vld.idx.msk [tilespmem:v10+s6+$0x0], $0xffff;
	(pc) =	sbr.rel @p0 .LBB2_6-.Ltmp6, $4  }
0x81: {  	[tilespmem:s7+$0xFFFFFFE0] =	vst v5;
	v1 =	vld.idx.msk [tilespmem:v11+s6+$0x0], $0xffff  }
0x82: {  	[tilespmem:s7+$0xFFFFFFF0] =	vst v7;
	v2 =	vld.idx.msk [tilespmem:v12+s6+$0x0], $0xffff  }
0x83: {  	[tilespmem:s7+$0xFFFFFF80] =	vst v14;
	v3 =	vld.idx.msk [tilespmem:v13+s6+$0x0], $0xffff  }
0x84: {  	s16 =	sadd.s32 $0x100, s16;
	[tilespmem:s7+$0x0] =	vst v8;
	v5 =	vld.idx.msk [tilespmem:v6+s6+$0x0], $0xffff  }
0x85: {  	[tilespmem:s7+$0x10] =	vst v4;
	s0 =	sadd.s32 s28, s29  }
0x86: {  	[tilespmem:s7+$0x20] =	vst v0;
	s0 =	sshll.u32 s0, $0xE  }
0x87: {  	[tilespmem:s7+$0x30] =	vst v1;
	s4 =	sand.u32 $0x7FFE0000, s0  }
0x88: {  	[tilespmem:s7+$0x40] =	vst v2;
	s4 =	sor.u32 s3, s4  }
0x89: {  	[tilespmem:s7+$0x50] =	vst v3;
	s16 =	sshrl.u32 s4, $0x3  }
0x8a: {  	s25 =	simm.s32 $0x18FF0;
	[tilespmem:s7+$0x60] =	vst v5;
	s4 =	sadd.s32 s5, s16  }
0x8b: {  	[hbm4b:s4+s17] =	stream.strided.scatter [tilespmem:s21], [sflag:$0x1], $0x800, s18, s17, $0x38;
	[tilespmem:$0x1D700] =	vst v63  }
0x8c: {  	v0 =	vld [tilespmem:s25+$0x0]  }
0x8d: {  	v1 =	vld [tilespmem:s25+$0xFFFFFF20]  }
0x8e: {  	v2 =	vld [tilespmem:s25+$0xFFFFFF30]  }
0x8f: {  	v3 =	vld [tilespmem:s25+$0xFFFFFF40]  }
0x90: {  	v4 =	vld [tilespmem:s25+$0xFFFFFF50]  }
0x91: {  	v5 =	vld [tilespmem:s25+$0xFFFFFF60]  }
0x92: {  	v6 =	vld [tilespmem:s25+$0xFFFFFF70]  }
0x93: {  	v7 =	vld [tilespmem:s25+$0xFFFFFF80]  }
0x94: {  	v8 =	vld [tilespmem:s25+$0xFFFFFF90]  }
0x95: {  	v9 =	vld [tilespmem:s25+$0xFFFFFFA0]  }
0x96: {  	v10 =	vld [tilespmem:s25+$0xFFFFFFB0]  }
0x97: {  	v11 =	vld [tilespmem:s25+$0xFFFFFFC0]  }
0x98: {  	v12 =	vld [tilespmem:s25+$0xFFFFFFD0]  }
0x99: {  	v13 =	vld [tilespmem:s25+$0xFFFFFFE0]  }
0x9a: {  	v14 =	vld [tilespmem:s25+$0xFFFFFFF0]  }
0x9b: {  	v15 =	vld [tilespmem:s25+$0xFFFFFF10]  }
0x9c: {  	v0 =	vld.idx.msk [tilespmem:v0+s6+$0x0], $0xffff  }
0x9d: {  	v1 =	vld.idx.msk [tilespmem:v1+s6+$0x0], $0xffff  }
0x9e: {  	v2 =	vld.idx.msk [tilespmem:v2+s6+$0x0], $0xffff  }
0x9f: {  	v3 =	vld.idx.msk [tilespmem:v3+s6+$0x0], $0xffff  }
0xa0: {  	v4 =	vld.idx.msk [tilespmem:v4+s6+$0x0], $0xffff  }
0xa1: {  	s7 =	simm.s32 $0x1CF80;
	v5 =	vld.idx.msk [tilespmem:v5+s6+$0x0], $0xffff  }
0xa2: {  	v6 =	vld.idx.msk [tilespmem:v6+s6+$0x0], $0xffff;
	[tilespmem:s7+$0x70] =	vst v0  }
0xa3: {  	v7 =	vld.idx.msk [tilespmem:v7+s6+$0x0], $0xffff;
	[tilespmem:s7+$0xFFFFFF90] =	vst v1  }
0xa4: {  	v15 =	vld.idx.msk [tilespmem:v15+s6+$0x0], $0xffff;
	[tilespmem:s7+$0xFFFFFFA0] =	vst v2  }
0xa5: {  	v8 =	vld.idx.msk [tilespmem:v8+s6+$0x0], $0xffff;
	[tilespmem:s7+$0xFFFFFFB0] =	vst v3  }
0xa6: {  	[tilespmem:s7+$0xFFFFFFC0] =	vst v4;
	v0 =	vld.idx.msk [tilespmem:v9+s6+$0x0], $0xffff  }
0xa7: {  	[tilespmem:s7+$0xFFFFFFD0] =	vst v5;
	v1 =	vld.idx.msk [tilespmem:v10+s6+$0x0], $0xffff  }
0xa8: {  	[tilespmem:s7+$0xFFFFFFE0] =	vst v6;
	v2 =	vld.idx.msk [tilespmem:v11+s6+$0x0], $0xffff  }
0xa9: {  	[tilespmem:s7+$0xFFFFFFF0] =	vst v7;
	v3 =	vld.idx.msk [tilespmem:v12+s6+$0x0], $0xffff  }
0xaa: {  	[tilespmem:s7+$0xFFFFFF80] =	vst v15;
	v4 =	vld.idx.msk [tilespmem:v13+s6+$0x0], $0xffff  }
0xab: {  	s4 =	simm.s32 $0x190F0;
	s25 =	simm.s32 $0x800;
	[tilespmem:s7+$0x0] =	vst v8;
	v5 =	vld.idx.msk [tilespmem:v14+s6+$0x0], $0xffff  }
.LBB2_8:
0xac: {  	v6 =	vld [tilespmem:s4+$0x0];
	s25 =	sadd.s32 $0x100, s25;
	[tilespmem:s7+$0x10] =	vst v0  }
0xad: {  	v0 =	vld [tilespmem:s4+$0xFFFFFF20];
	p0 =	slt.u32 s25, $0xF00;
	[tilespmem:s7+$0x20] =	vst v1  }
0xae: {  	v1 =	vld [tilespmem:s4+$0xFFFFFF30];
	[tilespmem:s7+$0x30] =	vst v2  }
0xaf: {  	v2 =	vld [tilespmem:s4+$0xFFFFFF40];
	[tilespmem:s7+$0x40] =	vst v3  }
0xb0: {  	v3 =	vld [tilespmem:s4+$0xFFFFFF50];
	[tilespmem:s7+$0x50] =	vst v4  }
0xb1: {  	v4 =	vld [tilespmem:s4+$0xFFFFFF60];
	[tilespmem:s7+$0x60] =	vst v5  }
0xb2: {  	v5 =	vld [tilespmem:s4+$0xFFFFFF70]  }
0xb3: {  	v7 =	vld [tilespmem:s4+$0xFFFFFF80]  }
0xb4: {  	v6 =	vld.idx.msk [tilespmem:v6+s6+$0x0], $0xffff  }
0xb5: {  	v8 =	vld [tilespmem:s4+$0xFFFFFF90]  }
0xb6: {  	v9 =	vld [tilespmem:s4+$0xFFFFFFA0]  }
0xb7: {  	v10 =	vld [tilespmem:s4+$0xFFFFFFB0]  }
0xb8: {  	v11 =	vld [tilespmem:s4+$0xFFFFFFC0]  }
0xb9: {  	s7 =	sadd.s32 $0x100, s7;
	v12 =	vld [tilespmem:s4+$0xFFFFFFD0]  }
0xba: {  	v13 =	vld [tilespmem:s4+$0xFFFFFFE0];
	[tilespmem:s7+$0x70] =	vst v6  }
0xbb: {  	v6 =	vld [tilespmem:s4+$0xFFFFFFF0]  }
0xbc: {  	v14 =	vld [tilespmem:s4+$0xFFFFFF10]  }
0xbd: {  	v0 =	vld.idx.msk [tilespmem:v0+s6+$0x0], $0xffff  }
0xbe: {  	v1 =	vld.idx.msk [tilespmem:v1+s6+$0x0], $0xffff  }
0xbf: {  	v2 =	vld.idx.msk [tilespmem:v2+s6+$0x0], $0xffff  }
0xc0: {  	v3 =	vld.idx.msk [tilespmem:v3+s6+$0x0], $0xffff  }
0xc1: {  	v4 =	vld.idx.msk [tilespmem:v4+s6+$0x0], $0xffff  }
0xc2: {  	v5 =	vld.idx.msk [tilespmem:v5+s6+$0x0], $0xffff  }
0xc3: {  	[tilespmem:s7+$0xFFFFFF90] =	vst v0;
	v7 =	vld.idx.msk [tilespmem:v7+s6+$0x0], $0xffff  }
0xc4: {  	v14 =	vld.idx.msk [tilespmem:v14+s6+$0x0], $0xffff;
	[tilespmem:s7+$0xFFFFFFA0] =	vst v1  }
0xc5: {  	[tilespmem:s7+$0xFFFFFFB0] =	vst v2;
	v8 =	vld.idx.msk [tilespmem:v8+s6+$0x0], $0xffff  }
0xc6: {  	[tilespmem:s7+$0xFFFFFFC0] =	vst v3;
	v0 =	vld.idx.msk [tilespmem:v9+s6+$0x0], $0xffff  }
.Ltmp7:
0xc7: {  	[tilespmem:s7+$0xFFFFFFD0] =	vst v4;
	v1 =	vld.idx.msk [tilespmem:v10+s6+$0x0], $0xffff;
	(pc) =	sbr.rel @p0 .LBB2_8-.Ltmp7, $4  }
0xc8: {  	[tilespmem:s7+$0xFFFFFFE0] =	vst v5;
	v2 =	vld.idx.msk [tilespmem:v11+s6+$0x0], $0xffff  }
0xc9: {  	[tilespmem:s7+$0xFFFFFFF0] =	vst v7;
	v3 =	vld.idx.msk [tilespmem:v12+s6+$0x0], $0xffff  }
0xca: {  	[tilespmem:s7+$0xFFFFFF80] =	vst v14;
	v4 =	vld.idx.msk [tilespmem:v13+s6+$0x0], $0xffff  }
0xcb: {  	s4 =	sadd.s32 $0x100, s4;
	[tilespmem:s7+$0x0] =	vst v8;
	v5 =	vld.idx.msk [tilespmem:v6+s6+$0x0], $0xffff  }
0xcc: {  	[tilespmem:s7+$0x10] =	vst v0  }
0xcd: {  	[tilespmem:s7+$0x20] =	vst v1  }
0xce: {  	[tilespmem:s7+$0x30] =	vst v2  }
0xcf: {  	[tilespmem:s7+$0x40] =	vst v3  }
0xd0: {  	[tilespmem:s7+$0x50] =	vst v4  }
0xd1: {  	s4 =	sadd.s32 s16, s10;
	[tilespmem:s7+$0x60] =	vst v5  }
0xd2: {  	[hbm4b:s4+s17] =	stream.strided.scatter [tilespmem:s22], [sflag:$0x2], $0x800, s18, s17, $0x38;
	[tilespmem:$0x1D700] =	vst v63  }
0xd3: {  	_ =	swait.ge [sflag:s23], $0x800  }
0xd4: {  	[sflag:s23] =	ssyncset.done $0x0  }
0xd5: {  	s25 =	simm.s32 $0x197F0;
	[sflag:s23] =	ssyncadd.s32 $0xFFFFF800  }
0xd6: {  	v0 =	vld [tilespmem:s25+$0x0]  }
0xd7: {  	v1 =	vld [tilespmem:s25+$0xFFFFFF20]  }
0xd8: {  	v2 =	vld [tilespmem:s25+$0xFFFFFF30]  }
0xd9: {  	v3 =	vld [tilespmem:s25+$0xFFFFFF40]  }
0xda: {  	v4 =	vld [tilespmem:s25+$0xFFFFFF50]  }
0xdb: {  	v5 =	vld [tilespmem:s25+$0xFFFFFF60]  }
0xdc: {  	v6 =	vld [tilespmem:s25+$0xFFFFFF70]  }
0xdd: {  	v7 =	vld [tilespmem:s25+$0xFFFFFF80]  }
0xde: {  	v8 =	vld [tilespmem:s25+$0xFFFFFF90]  }
0xdf: {  	v9 =	vld [tilespmem:s25+$0xFFFFFFA0]  }
0xe0: {  	v10 =	vld [tilespmem:s25+$0xFFFFFFB0]  }
0xe1: {  	v11 =	vld [tilespmem:s25+$0xFFFFFFC0]  }
0xe2: {  	v12 =	vld [tilespmem:s25+$0xFFFFFFD0]  }
0xe3: {  	v13 =	vld [tilespmem:s25+$0xFFFFFFE0]  }
0xe4: {  	v14 =	vld [tilespmem:s25+$0xFFFFFFF0]  }
0xe5: {  	v15 =	vld [tilespmem:s25+$0xFFFFFF10]  }
0xe6: {  	v0 =	vld.idx.msk [tilespmem:v0+s6+$0x0], $0xffff  }
0xe7: {  	v1 =	vld.idx.msk [tilespmem:v1+s6+$0x0], $0xffff  }
0xe8: {  	v2 =	vld.idx.msk [tilespmem:v2+s6+$0x0], $0xffff  }
0xe9: {  	v3 =	vld.idx.msk [tilespmem:v3+s6+$0x0], $0xffff  }
0xea: {  	v4 =	vld.idx.msk [tilespmem:v4+s6+$0x0], $0xffff  }
0xeb: {  	s7 =	simm.s32 $0x1C780;
	v5 =	vld.idx.msk [tilespmem:v5+s6+$0x0], $0xffff  }
0xec: {  	v6 =	vld.idx.msk [tilespmem:v6+s6+$0x0], $0xffff;
	[tilespmem:s7+$0x70] =	vst v0  }
0xed: {  	v7 =	vld.idx.msk [tilespmem:v7+s6+$0x0], $0xffff;
	[tilespmem:s7+$0xFFFFFF90] =	vst v1  }
0xee: {  	v15 =	vld.idx.msk [tilespmem:v15+s6+$0x0], $0xffff;
	[tilespmem:s7+$0xFFFFFFA0] =	vst v2  }
0xef: {  	v8 =	vld.idx.msk [tilespmem:v8+s6+$0x0], $0xffff;
	[tilespmem:s7+$0xFFFFFFB0] =	vst v3  }
0xf0: {  	[tilespmem:s7+$0xFFFFFFC0] =	vst v4;
	v0 =	vld.idx.msk [tilespmem:v9+s6+$0x0], $0xffff  }
0xf1: {  	[tilespmem:s7+$0xFFFFFFD0] =	vst v5;
	v1 =	vld.idx.msk [tilespmem:v10+s6+$0x0], $0xffff  }
0xf2: {  	[tilespmem:s7+$0xFFFFFFE0] =	vst v6;
	v2 =	vld.idx.msk [tilespmem:v11+s6+$0x0], $0xffff  }
0xf3: {  	[tilespmem:s7+$0xFFFFFFF0] =	vst v7;
	v3 =	vld.idx.msk [tilespmem:v12+s6+$0x0], $0xffff  }
0xf4: {  	[tilespmem:s7+$0xFFFFFF80] =	vst v15;
	v4 =	vld.idx.msk [tilespmem:v13+s6+$0x0], $0xffff  }
0xf5: {  	s4 =	simm.s32 $0x198F0;
	s25 =	simm.s32 $0x1000;
	[tilespmem:s7+$0x0] =	vst v8;
	v5 =	vld.idx.msk [tilespmem:v14+s6+$0x0], $0xffff  }
.LBB2_10:
0xf6: {  	v6 =	vld [tilespmem:s4+$0x0];
	s25 =	sadd.s32 $0x100, s25;
	[tilespmem:s7+$0x10] =	vst v0  }
0xf7: {  	v0 =	vld [tilespmem:s4+$0xFFFFFF20];
	p0 =	slt.u32 s25, $0x1700;
	[tilespmem:s7+$0x20] =	vst v1  }
0xf8: {  	v1 =	vld [tilespmem:s4+$0xFFFFFF30];
	[tilespmem:s7+$0x30] =	vst v2  }
0xf9: {  	v2 =	vld [tilespmem:s4+$0xFFFFFF40];
	[tilespmem:s7+$0x40] =	vst v3  }
0xfa: {  	v3 =	vld [tilespmem:s4+$0xFFFFFF50];
	[tilespmem:s7+$0x50] =	vst v4  }
0xfb: {  	v4 =	vld [tilespmem:s4+$0xFFFFFF60];
	[tilespmem:s7+$0x60] =	vst v5  }
0xfc: {  	v5 =	vld [tilespmem:s4+$0xFFFFFF70]  }
0xfd: {  	v7 =	vld [tilespmem:s4+$0xFFFFFF80]  }
0xfe: {  	v6 =	vld.idx.msk [tilespmem:v6+s6+$0x0], $0xffff  }
0xff: {  	v8 =	vld [tilespmem:s4+$0xFFFFFF90]  }
0x100: {  	v9 =	vld [tilespmem:s4+$0xFFFFFFA0]  }
0x101: {  	v10 =	vld [tilespmem:s4+$0xFFFFFFB0]  }
0x102: {  	v11 =	vld [tilespmem:s4+$0xFFFFFFC0]  }
0x103: {  	s7 =	sadd.s32 $0x100, s7;
	v12 =	vld [tilespmem:s4+$0xFFFFFFD0]  }
0x104: {  	v13 =	vld [tilespmem:s4+$0xFFFFFFE0];
	[tilespmem:s7+$0x70] =	vst v6  }
0x105: {  	v6 =	vld [tilespmem:s4+$0xFFFFFFF0]  }
0x106: {  	v14 =	vld [tilespmem:s4+$0xFFFFFF10]  }
0x107: {  	v0 =	vld.idx.msk [tilespmem:v0+s6+$0x0], $0xffff  }
0x108: {  	v1 =	vld.idx.msk [tilespmem:v1+s6+$0x0], $0xffff  }
0x109: {  	v2 =	vld.idx.msk [tilespmem:v2+s6+$0x0], $0xffff  }
0x10a: {  	v3 =	vld.idx.msk [tilespmem:v3+s6+$0x0], $0xffff  }
0x10b: {  	v4 =	vld.idx.msk [tilespmem:v4+s6+$0x0], $0xffff  }
0x10c: {  	v5 =	vld.idx.msk [tilespmem:v5+s6+$0x0], $0xffff  }
0x10d: {  	[tilespmem:s7+$0xFFFFFF90] =	vst v0;
	v7 =	vld.idx.msk [tilespmem:v7+s6+$0x0], $0xffff  }
0x10e: {  	v14 =	vld.idx.msk [tilespmem:v14+s6+$0x0], $0xffff;
	[tilespmem:s7+$0xFFFFFFA0] =	vst v1  }
0x10f: {  	[tilespmem:s7+$0xFFFFFFB0] =	vst v2;
	v8 =	vld.idx.msk [tilespmem:v8+s6+$0x0], $0xffff  }
0x110: {  	[tilespmem:s7+$0xFFFFFFC0] =	vst v3;
	v0 =	vld.idx.msk [tilespmem:v9+s6+$0x0], $0xffff  }
.Ltmp8:
0x111: {  	[tilespmem:s7+$0xFFFFFFD0] =	vst v4;
	v1 =	vld.idx.msk [tilespmem:v10+s6+$0x0], $0xffff;
	(pc) =	sbr.rel @p0 .LBB2_10-.Ltmp8, $4  }
0x112: {  	[tilespmem:s7+$0xFFFFFFE0] =	vst v5;
	v2 =	vld.idx.msk [tilespmem:v11+s6+$0x0], $0xffff  }
0x113: {  	[tilespmem:s7+$0xFFFFFFF0] =	vst v7;
	v3 =	vld.idx.msk [tilespmem:v12+s6+$0x0], $0xffff  }
0x114: {  	[tilespmem:s7+$0xFFFFFF80] =	vst v14;
	v4 =	vld.idx.msk [tilespmem:v13+s6+$0x0], $0xffff  }
0x115: {  	s4 =	sadd.s32 $0x100, s4;
	[tilespmem:s7+$0x0] =	vst v8;
	v5 =	vld.idx.msk [tilespmem:v6+s6+$0x0], $0xffff  }
0x116: {  	[tilespmem:s7+$0x10] =	vst v0  }
0x117: {  	[tilespmem:s7+$0x20] =	vst v1  }
0x118: {  	[tilespmem:s7+$0x30] =	vst v2  }
0x119: {  	[tilespmem:s7+$0x40] =	vst v3  }
0x11a: {  	[tilespmem:s7+$0x50] =	vst v4  }
0x11b: {  	s4 =	sadd.s32 s16, s11;
	[tilespmem:s7+$0x60] =	vst v5  }
0x11c: {  	[hbm4b:s4+s17] =	stream.strided.scatter [tilespmem:s21], [sflag:$0x1], $0x800, s18, s17, $0x38;
	[tilespmem:$0x1D700] =	vst v63  }
0x11d: {  	_ =	swait.ge [sflag:s24], $0x800  }
0x11e: {  	[sflag:s24] =	ssyncset.done $0x0  }
0x11f: {  	s25 =	simm.s32 $0x19FF0;
	[sflag:s24] =	ssyncadd.s32 $0xFFFFF800  }
0x120: {  	v0 =	vld [tilespmem:s25+$0x0]  }
0x121: {  	v1 =	vld [tilespmem:s25+$0xFFFFFF20]  }
0x122: {  	v2 =	vld [tilespmem:s25+$0xFFFFFF30]  }
0x123: {  	v3 =	vld [tilespmem:s25+$0xFFFFFF40]  }
0x124: {  	v4 =	vld [tilespmem:s25+$0xFFFFFF50]  }
0x125: {  	v5 =	vld [tilespmem:s25+$0xFFFFFF60]  }
0x126: {  	v6 =	vld [tilespmem:s25+$0xFFFFFF70]  }
0x127: {  	v7 =	vld [tilespmem:s25+$0xFFFFFF80]  }
0x128: {  	v8 =	vld [tilespmem:s25+$0xFFFFFF90]  }
0x129: {  	v9 =	vld [tilespmem:s25+$0xFFFFFFA0]  }
0x12a: {  	v10 =	vld [tilespmem:s25+$0xFFFFFFB0]  }
0x12b: {  	v11 =	vld [tilespmem:s25+$0xFFFFFFC0]  }
0x12c: {  	v12 =	vld [tilespmem:s25+$0xFFFFFFD0]  }
0x12d: {  	v13 =	vld [tilespmem:s25+$0xFFFFFFE0]  }
0x12e: {  	v14 =	vld [tilespmem:s25+$0xFFFFFFF0]  }
0x12f: {  	v15 =	vld [tilespmem:s25+$0xFFFFFF10]  }
0x130: {  	v0 =	vld.idx.msk [tilespmem:v0+s6+$0x0], $0xffff  }
0x131: {  	v1 =	vld.idx.msk [tilespmem:v1+s6+$0x0], $0xffff  }
0x132: {  	v2 =	vld.idx.msk [tilespmem:v2+s6+$0x0], $0xffff  }
0x133: {  	v3 =	vld.idx.msk [tilespmem:v3+s6+$0x0], $0xffff  }
0x134: {  	v4 =	vld.idx.msk [tilespmem:v4+s6+$0x0], $0xffff  }
0x135: {  	s7 =	simm.s32 $0x1CF80;
	v5 =	vld.idx.msk [tilespmem:v5+s6+$0x0], $0xffff  }
0x136: {  	v6 =	vld.idx.msk [tilespmem:v6+s6+$0x0], $0xffff;
	[tilespmem:s7+$0x70] =	vst v0  }
0x137: {  	v7 =	vld.idx.msk [tilespmem:v7+s6+$0x0], $0xffff;
	[tilespmem:s7+$0xFFFFFF90] =	vst v1  }
0x138: {  	v15 =	vld.idx.msk [tilespmem:v15+s6+$0x0], $0xffff;
	[tilespmem:s7+$0xFFFFFFA0] =	vst v2  }
0x139: {  	v8 =	vld.idx.msk [tilespmem:v8+s6+$0x0], $0xffff;
	[tilespmem:s7+$0xFFFFFFB0] =	vst v3  }
0x13a: {  	[tilespmem:s7+$0xFFFFFFC0] =	vst v4;
	v0 =	vld.idx.msk [tilespmem:v9+s6+$0x0], $0xffff  }
0x13b: {  	[tilespmem:s7+$0xFFFFFFD0] =	vst v5;
	v1 =	vld.idx.msk [tilespmem:v10+s6+$0x0], $0xffff  }
0x13c: {  	[tilespmem:s7+$0xFFFFFFE0] =	vst v6;
	v2 =	vld.idx.msk [tilespmem:v11+s6+$0x0], $0xffff  }
0x13d: {  	[tilespmem:s7+$0xFFFFFFF0] =	vst v7;
	v3 =	vld.idx.msk [tilespmem:v12+s6+$0x0], $0xffff  }
0x13e: {  	[tilespmem:s7+$0xFFFFFF80] =	vst v15;
	v4 =	vld.idx.msk [tilespmem:v13+s6+$0x0], $0xffff  }
0x13f: {  	s4 =	simm.s32 $0x1A0F0;
	s25 =	simm.s32 $0x1800;
	[tilespmem:s7+$0x0] =	vst v8;
	v5 =	vld.idx.msk [tilespmem:v14+s6+$0x0], $0xffff  }
.LBB2_12:
0x140: {  	v6 =	vld [tilespmem:s4+$0x0];
	s25 =	sadd.s32 $0x100, s25;
	[tilespmem:s7+$0x10] =	vst v0  }
0x141: {  	v0 =	vld [tilespmem:s4+$0xFFFFFF20];
	p0 =	slt.u32 s25, $0x1F00;
	[tilespmem:s7+$0x20] =	vst v1  }
0x142: {  	v1 =	vld [tilespmem:s4+$0xFFFFFF30];
	[tilespmem:s7+$0x30] =	vst v2  }
0x143: {  	v2 =	vld [tilespmem:s4+$0xFFFFFF40];
	[tilespmem:s7+$0x40] =	vst v3  }
0x144: {  	v3 =	vld [tilespmem:s4+$0xFFFFFF50];
	[tilespmem:s7+$0x50] =	vst v4  }
0x145: {  	v4 =	vld [tilespmem:s4+$0xFFFFFF60];
	[tilespmem:s7+$0x60] =	vst v5  }
0x146: {  	v5 =	vld [tilespmem:s4+$0xFFFFFF70]  }
0x147: {  	v7 =	vld [tilespmem:s4+$0xFFFFFF80]  }
0x148: {  	v6 =	vld.idx.msk [tilespmem:v6+s6+$0x0], $0xffff  }
0x149: {  	v8 =	vld [tilespmem:s4+$0xFFFFFF90]  }
0x14a: {  	v9 =	vld [tilespmem:s4+$0xFFFFFFA0]  }
0x14b: {  	v10 =	vld [tilespmem:s4+$0xFFFFFFB0]  }
0x14c: {  	v11 =	vld [tilespmem:s4+$0xFFFFFFC0]  }
0x14d: {  	s7 =	sadd.s32 $0x100, s7;
	v12 =	vld [tilespmem:s4+$0xFFFFFFD0]  }
0x14e: {  	v13 =	vld [tilespmem:s4+$0xFFFFFFE0];
	[tilespmem:s7+$0x70] =	vst v6  }
0x14f: {  	v6 =	vld [tilespmem:s4+$0xFFFFFFF0]  }
0x150: {  	v14 =	vld [tilespmem:s4+$0xFFFFFF10]  }
0x151: {  	v0 =	vld.idx.msk [tilespmem:v0+s6+$0x0], $0xffff  }
0x152: {  	v1 =	vld.idx.msk [tilespmem:v1+s6+$0x0], $0xffff  }
0x153: {  	v2 =	vld.idx.msk [tilespmem:v2+s6+$0x0], $0xffff  }
0x154: {  	v3 =	vld.idx.msk [tilespmem:v3+s6+$0x0], $0xffff  }
0x155: {  	v4 =	vld.idx.msk [tilespmem:v4+s6+$0x0], $0xffff  }
0x156: {  	v5 =	vld.idx.msk [tilespmem:v5+s6+$0x0], $0xffff  }
0x157: {  	[tilespmem:s7+$0xFFFFFF90] =	vst v0;
	v7 =	vld.idx.msk [tilespmem:v7+s6+$0x0], $0xffff  }
0x158: {  	v14 =	vld.idx.msk [tilespmem:v14+s6+$0x0], $0xffff;
	[tilespmem:s7+$0xFFFFFFA0] =	vst v1  }
0x159: {  	[tilespmem:s7+$0xFFFFFFB0] =	vst v2;
	v8 =	vld.idx.msk [tilespmem:v8+s6+$0x0], $0xffff  }
0x15a: {  	[tilespmem:s7+$0xFFFFFFC0] =	vst v3;
	v0 =	vld.idx.msk [tilespmem:v9+s6+$0x0], $0xffff  }
.Ltmp9:
0x15b: {  	[tilespmem:s7+$0xFFFFFFD0] =	vst v4;
	v1 =	vld.idx.msk [tilespmem:v10+s6+$0x0], $0xffff;
	(pc) =	sbr.rel @p0 .LBB2_12-.Ltmp9, $4  }
0x15c: {  	[tilespmem:s7+$0xFFFFFFE0] =	vst v5;
	v2 =	vld.idx.msk [tilespmem:v11+s6+$0x0], $0xffff  }
0x15d: {  	[tilespmem:s7+$0xFFFFFFF0] =	vst v7;
	v3 =	vld.idx.msk [tilespmem:v12+s6+$0x0], $0xffff  }
0x15e: {  	[tilespmem:s7+$0xFFFFFF80] =	vst v14;
	v4 =	vld.idx.msk [tilespmem:v13+s6+$0x0], $0xffff  }
0x15f: {  	s4 =	sadd.s32 $0x100, s4;
	[tilespmem:s7+$0x0] =	vst v8;
	v5 =	vld.idx.msk [tilespmem:v6+s6+$0x0], $0xffff  }
0x160: {  	[tilespmem:s7+$0x10] =	vst v0  }
0x161: {  	[tilespmem:s7+$0x20] =	vst v1  }
0x162: {  	[tilespmem:s7+$0x30] =	vst v2  }
0x163: {  	[tilespmem:s7+$0x40] =	vst v3  }
0x164: {  	[tilespmem:s7+$0x50] =	vst v4  }
0x165: {  	s4 =	sadd.s32 s16, s12;
	[tilespmem:s7+$0x60] =	vst v5  }
0x166: {  	[hbm4b:s4+s17] =	stream.strided.scatter [tilespmem:s22], [sflag:$0x2], $0x800, s18, s17, $0x38;
	[tilespmem:$0x1D700] =	vst v63  }
0x167: {  	_ =	swait.ge [sflag:s23], $0x800  }
0x168: {  	[sflag:s23] =	ssyncset.done $0x0  }
0x169: {  	s25 =	simm.s32 $0x1A7F0;
	[sflag:s23] =	ssyncadd.s32 $0xFFFFF800  }
0x16a: {  	v0 =	vld [tilespmem:s25+$0x0]  }
0x16b: {  	v1 =	vld [tilespmem:s25+$0xFFFFFF20]  }
0x16c: {  	v2 =	vld [tilespmem:s25+$0xFFFFFF30]  }
0x16d: {  	v3 =	vld [tilespmem:s25+$0xFFFFFF40]  }
0x16e: {  	v4 =	vld [tilespmem:s25+$0xFFFFFF50]  }
0x16f: {  	v5 =	vld [tilespmem:s25+$0xFFFFFF60]  }
0x170: {  	v6 =	vld [tilespmem:s25+$0xFFFFFF70]  }
0x171: {  	v7 =	vld [tilespmem:s25+$0xFFFFFF80]  }
0x172: {  	v8 =	vld [tilespmem:s25+$0xFFFFFF90]  }
0x173: {  	v9 =	vld [tilespmem:s25+$0xFFFFFFA0]  }
0x174: {  	v10 =	vld [tilespmem:s25+$0xFFFFFFB0]  }
0x175: {  	v11 =	vld [tilespmem:s25+$0xFFFFFFC0]  }
0x176: {  	v12 =	vld [tilespmem:s25+$0xFFFFFFD0]  }
0x177: {  	v13 =	vld [tilespmem:s25+$0xFFFFFFE0]  }
0x178: {  	v14 =	vld [tilespmem:s25+$0xFFFFFFF0]  }
0x179: {  	v15 =	vld [tilespmem:s25+$0xFFFFFF10]  }
0x17a: {  	v0 =	vld.idx.msk [tilespmem:v0+s6+$0x0], $0xffff  }
0x17b: {  	v1 =	vld.idx.msk [tilespmem:v1+s6+$0x0], $0xffff  }
0x17c: {  	v2 =	vld.idx.msk [tilespmem:v2+s6+$0x0], $0xffff  }
0x17d: {  	v3 =	vld.idx.msk [tilespmem:v3+s6+$0x0], $0xffff  }
0x17e: {  	v4 =	vld.idx.msk [tilespmem:v4+s6+$0x0], $0xffff  }
0x17f: {  	s7 =	simm.s32 $0x1C780;
	v5 =	vld.idx.msk [tilespmem:v5+s6+$0x0], $0xffff  }
0x180: {  	v6 =	vld.idx.msk [tilespmem:v6+s6+$0x0], $0xffff;
	[tilespmem:s7+$0x70] =	vst v0  }
0x181: {  	v7 =	vld.idx.msk [tilespmem:v7+s6+$0x0], $0xffff;
	[tilespmem:s7+$0xFFFFFF90] =	vst v1  }
0x182: {  	v15 =	vld.idx.msk [tilespmem:v15+s6+$0x0], $0xffff;
	[tilespmem:s7+$0xFFFFFFA0] =	vst v2  }
0x183: {  	v8 =	vld.idx.msk [tilespmem:v8+s6+$0x0], $0xffff;
	[tilespmem:s7+$0xFFFFFFB0] =	vst v3  }
0x184: {  	[tilespmem:s7+$0xFFFFFFC0] =	vst v4;
	v0 =	vld.idx.msk [tilespmem:v9+s6+$0x0], $0xffff  }
0x185: {  	[tilespmem:s7+$0xFFFFFFD0] =	vst v5;
	v1 =	vld.idx.msk [tilespmem:v10+s6+$0x0], $0xffff  }
0x186: {  	[tilespmem:s7+$0xFFFFFFE0] =	vst v6;
	v2 =	vld.idx.msk [tilespmem:v11+s6+$0x0], $0xffff  }
0x187: {  	[tilespmem:s7+$0xFFFFFFF0] =	vst v7;
	v3 =	vld.idx.msk [tilespmem:v12+s6+$0x0], $0xffff  }
0x188: {  	[tilespmem:s7+$0xFFFFFF80] =	vst v15;
	v4 =	vld.idx.msk [tilespmem:v13+s6+$0x0], $0xffff  }
0x189: {  	s4 =	simm.s32 $0x1A8F0;
	s25 =	simm.s32 $0x2000;
	[tilespmem:s7+$0x0] =	vst v8;
	v5 =	vld.idx.msk [tilespmem:v14+s6+$0x0], $0xffff  }
.LBB2_14:
0x18a: {  	v6 =	vld [tilespmem:s4+$0x0];
	s25 =	sadd.s32 $0x100, s25;
	[tilespmem:s7+$0x10] =	vst v0  }
0x18b: {  	v0 =	vld [tilespmem:s4+$0xFFFFFF20];
	p0 =	slt.u32 s25, $0x2700;
	[tilespmem:s7+$0x20] =	vst v1  }
0x18c: {  	v1 =	vld [tilespmem:s4+$0xFFFFFF30];
	[tilespmem:s7+$0x30] =	vst v2  }
0x18d: {  	v2 =	vld [tilespmem:s4+$0xFFFFFF40];
	[tilespmem:s7+$0x40] =	vst v3  }
0x18e: {  	v3 =	vld [tilespmem:s4+$0xFFFFFF50];
	[tilespmem:s7+$0x50] =	vst v4  }
0x18f: {  	v4 =	vld [tilespmem:s4+$0xFFFFFF60];
	[tilespmem:s7+$0x60] =	vst v5  }
0x190: {  	v5 =	vld [tilespmem:s4+$0xFFFFFF70]  }
0x191: {  	v7 =	vld [tilespmem:s4+$0xFFFFFF80]  }
0x192: {  	v6 =	vld.idx.msk [tilespmem:v6+s6+$0x0], $0xffff  }
0x193: {  	v8 =	vld [tilespmem:s4+$0xFFFFFF90]  }
0x194: {  	v9 =	vld [tilespmem:s4+$0xFFFFFFA0]  }
0x195: {  	v10 =	vld [tilespmem:s4+$0xFFFFFFB0]  }
0x196: {  	v11 =	vld [tilespmem:s4+$0xFFFFFFC0]  }
0x197: {  	s7 =	sadd.s32 $0x100, s7;
	v12 =	vld [tilespmem:s4+$0xFFFFFFD0]  }
0x198: {  	v13 =	vld [tilespmem:s4+$0xFFFFFFE0];
	[tilespmem:s7+$0x70] =	vst v6  }
0x199: {  	v6 =	vld [tilespmem:s4+$0xFFFFFFF0]  }
0x19a: {  	v14 =	vld [tilespmem:s4+$0xFFFFFF10]  }
0x19b: {  	v0 =	vld.idx.msk [tilespmem:v0+s6+$0x0], $0xffff  }
0x19c: {  	v1 =	vld.idx.msk [tilespmem:v1+s6+$0x0], $0xffff  }
0x19d: {  	v2 =	vld.idx.msk [tilespmem:v2+s6+$0x0], $0xffff  }
0x19e: {  	v3 =	vld.idx.msk [tilespmem:v3+s6+$0x0], $0xffff  }
0x19f: {  	v4 =	vld.idx.msk [tilespmem:v4+s6+$0x0], $0xffff  }
0x1a0: {  	v5 =	vld.idx.msk [tilespmem:v5+s6+$0x0], $0xffff  }
0x1a1: {  	[tilespmem:s7+$0xFFFFFF90] =	vst v0;
	v7 =	vld.idx.msk [tilespmem:v7+s6+$0x0], $0xffff  }
0x1a2: {  	v14 =	vld.idx.msk [tilespmem:v14+s6+$0x0], $0xffff;
	[tilespmem:s7+$0xFFFFFFA0] =	vst v1  }
0x1a3: {  	[tilespmem:s7+$0xFFFFFFB0] =	vst v2;
	v8 =	vld.idx.msk [tilespmem:v8+s6+$0x0], $0xffff  }
0x1a4: {  	[tilespmem:s7+$0xFFFFFFC0] =	vst v3;
	v0 =	vld.idx.msk [tilespmem:v9+s6+$0x0], $0xffff  }
.Ltmp10:
0x1a5: {  	[tilespmem:s7+$0xFFFFFFD0] =	vst v4;
	v1 =	vld.idx.msk [tilespmem:v10+s6+$0x0], $0xffff;
	(pc) =	sbr.rel @p0 .LBB2_14-.Ltmp10, $4  }
0x1a6: {  	[tilespmem:s7+$0xFFFFFFE0] =	vst v5;
	v2 =	vld.idx.msk [tilespmem:v11+s6+$0x0], $0xffff  }
0x1a7: {  	[tilespmem:s7+$0xFFFFFFF0] =	vst v7;
	v3 =	vld.idx.msk [tilespmem:v12+s6+$0x0], $0xffff  }
0x1a8: {  	[tilespmem:s7+$0xFFFFFF80] =	vst v14;
	v4 =	vld.idx.msk [tilespmem:v13+s6+$0x0], $0xffff  }
0x1a9: {  	s4 =	sadd.s32 $0x100, s4;
	[tilespmem:s7+$0x0] =	vst v8;
	v5 =	vld.idx.msk [tilespmem:v6+s6+$0x0], $0xffff  }
0x1aa: {  	[tilespmem:s7+$0x10] =	vst v0  }
0x1ab: {  	[tilespmem:s7+$0x20] =	vst v1  }
0x1ac: {  	[tilespmem:s7+$0x30] =	vst v2  }
0x1ad: {  	[tilespmem:s7+$0x40] =	vst v3  }
0x1ae: {  	[tilespmem:s7+$0x50] =	vst v4  }
0x1af: {  	s4 =	sadd.s32 s16, s13;
	[tilespmem:s7+$0x60] =	vst v5  }
0x1b0: {  	[hbm4b:s4+s17] =	stream.strided.scatter [tilespmem:s21], [sflag:$0x1], $0x800, s18, s17, $0x38;
	[tilespmem:$0x1D700] =	vst v63  }
0x1b1: {  	_ =	swait.ge [sflag:s24], $0x800  }
0x1b2: {  	[sflag:s24] =	ssyncset.done $0x0  }
0x1b3: {  	s25 =	simm.s32 $0x1AFF0;
	[sflag:s24] =	ssyncadd.s32 $0xFFFFF800  }
0x1b4: {  	v0 =	vld [tilespmem:s25+$0x0]  }
0x1b5: {  	v1 =	vld [tilespmem:s25+$0xFFFFFF20]  }
0x1b6: {  	v2 =	vld [tilespmem:s25+$0xFFFFFF30]  }
0x1b7: {  	v3 =	vld [tilespmem:s25+$0xFFFFFF40]  }
0x1b8: {  	v4 =	vld [tilespmem:s25+$0xFFFFFF50]  }
0x1b9: {  	v5 =	vld [tilespmem:s25+$0xFFFFFF60]  }
0x1ba: {  	v6 =	vld [tilespmem:s25+$0xFFFFFF70]  }
0x1bb: {  	v7 =	vld [tilespmem:s25+$0xFFFFFF80]  }
0x1bc: {  	v8 =	vld [tilespmem:s25+$0xFFFFFF90]  }
0x1bd: {  	v9 =	vld [tilespmem:s25+$0xFFFFFFA0]  }
0x1be: {  	v10 =	vld [tilespmem:s25+$0xFFFFFFB0]  }
0x1bf: {  	v11 =	vld [tilespmem:s25+$0xFFFFFFC0]  }
0x1c0: {  	v12 =	vld [tilespmem:s25+$0xFFFFFFD0]  }
0x1c1: {  	v13 =	vld [tilespmem:s25+$0xFFFFFFE0]  }
0x1c2: {  	v14 =	vld [tilespmem:s25+$0xFFFFFFF0]  }
0x1c3: {  	v15 =	vld [tilespmem:s25+$0xFFFFFF10]  }
0x1c4: {  	v0 =	vld.idx.msk [tilespmem:v0+s6+$0x0], $0xffff  }
0x1c5: {  	v1 =	vld.idx.msk [tilespmem:v1+s6+$0x0], $0xffff  }
0x1c6: {  	v2 =	vld.idx.msk [tilespmem:v2+s6+$0x0], $0xffff  }
0x1c7: {  	v3 =	vld.idx.msk [tilespmem:v3+s6+$0x0], $0xffff  }
0x1c8: {  	v4 =	vld.idx.msk [tilespmem:v4+s6+$0x0], $0xffff  }
0x1c9: {  	s7 =	simm.s32 $0x1CF80;
	v5 =	vld.idx.msk [tilespmem:v5+s6+$0x0], $0xffff  }
0x1ca: {  	v6 =	vld.idx.msk [tilespmem:v6+s6+$0x0], $0xffff;
	[tilespmem:s7+$0x70] =	vst v0  }
0x1cb: {  	v7 =	vld.idx.msk [tilespmem:v7+s6+$0x0], $0xffff;
	[tilespmem:s7+$0xFFFFFF90] =	vst v1  }
0x1cc: {  	v15 =	vld.idx.msk [tilespmem:v15+s6+$0x0], $0xffff;
	[tilespmem:s7+$0xFFFFFFA0] =	vst v2  }
0x1cd: {  	v8 =	vld.idx.msk [tilespmem:v8+s6+$0x0], $0xffff;
	[tilespmem:s7+$0xFFFFFFB0] =	vst v3  }
0x1ce: {  	[tilespmem:s7+$0xFFFFFFC0] =	vst v4;
	v0 =	vld.idx.msk [tilespmem:v9+s6+$0x0], $0xffff  }
0x1cf: {  	[tilespmem:s7+$0xFFFFFFD0] =	vst v5;
	v1 =	vld.idx.msk [tilespmem:v10+s6+$0x0], $0xffff  }
0x1d0: {  	[tilespmem:s7+$0xFFFFFFE0] =	vst v6;
	v2 =	vld.idx.msk [tilespmem:v11+s6+$0x0], $0xffff  }
0x1d1: {  	[tilespmem:s7+$0xFFFFFFF0] =	vst v7;
	v3 =	vld.idx.msk [tilespmem:v12+s6+$0x0], $0xffff  }
0x1d2: {  	[tilespmem:s7+$0xFFFFFF80] =	vst v15;
	v4 =	vld.idx.msk [tilespmem:v13+s6+$0x0], $0xffff  }
0x1d3: {  	s4 =	simm.s32 $0x1B0F0;
	s25 =	simm.s32 $0x2800;
	[tilespmem:s7+$0x0] =	vst v8;
	v5 =	vld.idx.msk [tilespmem:v14+s6+$0x0], $0xffff  }
.LBB2_16:
0x1d4: {  	v6 =	vld [tilespmem:s4+$0x0];
	s25 =	sadd.s32 $0x100, s25;
	[tilespmem:s7+$0x10] =	vst v0  }
0x1d5: {  	v0 =	vld [tilespmem:s4+$0xFFFFFF20];
	p0 =	slt.u32 s25, $0x2F00;
	[tilespmem:s7+$0x20] =	vst v1  }
0x1d6: {  	v1 =	vld [tilespmem:s4+$0xFFFFFF30];
	[tilespmem:s7+$0x30] =	vst v2  }
0x1d7: {  	v2 =	vld [tilespmem:s4+$0xFFFFFF40];
	[tilespmem:s7+$0x40] =	vst v3  }
0x1d8: {  	v3 =	vld [tilespmem:s4+$0xFFFFFF50];
	[tilespmem:s7+$0x50] =	vst v4  }
0x1d9: {  	v4 =	vld [tilespmem:s4+$0xFFFFFF60];
	[tilespmem:s7+$0x60] =	vst v5  }
0x1da: {  	v5 =	vld [tilespmem:s4+$0xFFFFFF70]  }
0x1db: {  	v7 =	vld [tilespmem:s4+$0xFFFFFF80]  }
0x1dc: {  	v6 =	vld.idx.msk [tilespmem:v6+s6+$0x0], $0xffff  }
0x1dd: {  	v8 =	vld [tilespmem:s4+$0xFFFFFF90]  }
0x1de: {  	v9 =	vld [tilespmem:s4+$0xFFFFFFA0]  }
0x1df: {  	v10 =	vld [tilespmem:s4+$0xFFFFFFB0]  }
0x1e0: {  	v11 =	vld [tilespmem:s4+$0xFFFFFFC0]  }
0x1e1: {  	s7 =	sadd.s32 $0x100, s7;
	v12 =	vld [tilespmem:s4+$0xFFFFFFD0]  }
0x1e2: {  	v13 =	vld [tilespmem:s4+$0xFFFFFFE0];
	[tilespmem:s7+$0x70] =	vst v6  }
0x1e3: {  	v6 =	vld [tilespmem:s4+$0xFFFFFFF0]  }
0x1e4: {  	v14 =	vld [tilespmem:s4+$0xFFFFFF10]  }
0x1e5: {  	v0 =	vld.idx.msk [tilespmem:v0+s6+$0x0], $0xffff  }
0x1e6: {  	v1 =	vld.idx.msk [tilespmem:v1+s6+$0x0], $0xffff  }
0x1e7: {  	v2 =	vld.idx.msk [tilespmem:v2+s6+$0x0], $0xffff  }
0x1e8: {  	v3 =	vld.idx.msk [tilespmem:v3+s6+$0x0], $0xffff  }
0x1e9: {  	v4 =	vld.idx.msk [tilespmem:v4+s6+$0x0], $0xffff  }
0x1ea: {  	v5 =	vld.idx.msk [tilespmem:v5+s6+$0x0], $0xffff  }
0x1eb: {  	[tilespmem:s7+$0xFFFFFF90] =	vst v0;
	v7 =	vld.idx.msk [tilespmem:v7+s6+$0x0], $0xffff  }
0x1ec: {  	v14 =	vld.idx.msk [tilespmem:v14+s6+$0x0], $0xffff;
	[tilespmem:s7+$0xFFFFFFA0] =	vst v1  }
0x1ed: {  	[tilespmem:s7+$0xFFFFFFB0] =	vst v2;
	v8 =	vld.idx.msk [tilespmem:v8+s6+$0x0], $0xffff  }
0x1ee: {  	[tilespmem:s7+$0xFFFFFFC0] =	vst v3;
	v0 =	vld.idx.msk [tilespmem:v9+s6+$0x0], $0xffff  }
.Ltmp11:
0x1ef: {  	[tilespmem:s7+$0xFFFFFFD0] =	vst v4;
	v1 =	vld.idx.msk [tilespmem:v10+s6+$0x0], $0xffff;
	(pc) =	sbr.rel @p0 .LBB2_16-.Ltmp11, $4  }
0x1f0: {  	[tilespmem:s7+$0xFFFFFFE0] =	vst v5;
	v2 =	vld.idx.msk [tilespmem:v11+s6+$0x0], $0xffff  }
0x1f1: {  	[tilespmem:s7+$0xFFFFFFF0] =	vst v7;
	v3 =	vld.idx.msk [tilespmem:v12+s6+$0x0], $0xffff  }
0x1f2: {  	[tilespmem:s7+$0xFFFFFF80] =	vst v14;
	v4 =	vld.idx.msk [tilespmem:v13+s6+$0x0], $0xffff  }
0x1f3: {  	s4 =	sadd.s32 $0x100, s4;
	[tilespmem:s7+$0x0] =	vst v8;
	v5 =	vld.idx.msk [tilespmem:v6+s6+$0x0], $0xffff  }
0x1f4: {  	[tilespmem:s7+$0x10] =	vst v0  }
0x1f5: {  	[tilespmem:s7+$0x20] =	vst v1  }
0x1f6: {  	[tilespmem:s7+$0x30] =	vst v2  }
0x1f7: {  	[tilespmem:s7+$0x40] =	vst v3  }
0x1f8: {  	[tilespmem:s7+$0x50] =	vst v4  }
0x1f9: {  	s4 =	sadd.s32 s16, s14;
	[tilespmem:s7+$0x60] =	vst v5  }
0x1fa: {  	[hbm4b:s4+s17] =	stream.strided.scatter [tilespmem:s22], [sflag:$0x2], $0x800, s18, s17, $0x38;
	[tilespmem:$0x1D700] =	vst v63  }
0x1fb: {  	_ =	swait.ge [sflag:s23], $0x800  }
0x1fc: {  	[sflag:s23] =	ssyncset.done $0x0  }
0x1fd: {  	s25 =	simm.s32 $0x1B7F0;
	[sflag:s23] =	ssyncadd.s32 $0xFFFFF800  }
0x1fe: {  	v0 =	vld [tilespmem:s25+$0x0]  }
0x1ff: {  	v1 =	vld [tilespmem:s25+$0xFFFFFF20]  }
0x200: {  	v2 =	vld [tilespmem:s25+$0xFFFFFF30]  }
0x201: {  	v3 =	vld [tilespmem:s25+$0xFFFFFF40]  }
0x202: {  	v4 =	vld [tilespmem:s25+$0xFFFFFF50]  }
0x203: {  	v5 =	vld [tilespmem:s25+$0xFFFFFF60]  }
0x204: {  	v6 =	vld [tilespmem:s25+$0xFFFFFF70]  }
0x205: {  	v7 =	vld [tilespmem:s25+$0xFFFFFF80]  }
0x206: {  	v8 =	vld [tilespmem:s25+$0xFFFFFF90]  }
0x207: {  	v9 =	vld [tilespmem:s25+$0xFFFFFFA0]  }
0x208: {  	v10 =	vld [tilespmem:s25+$0xFFFFFFB0]  }
0x209: {  	v11 =	vld [tilespmem:s25+$0xFFFFFFC0]  }
0x20a: {  	v12 =	vld [tilespmem:s25+$0xFFFFFFD0]  }
0x20b: {  	v13 =	vld [tilespmem:s25+$0xFFFFFFE0]  }
0x20c: {  	v14 =	vld [tilespmem:s25+$0xFFFFFFF0]  }
0x20d: {  	v15 =	vld [tilespmem:s25+$0xFFFFFF10]  }
0x20e: {  	v0 =	vld.idx.msk [tilespmem:v0+s6+$0x0], $0xffff  }
0x20f: {  	v1 =	vld.idx.msk [tilespmem:v1+s6+$0x0], $0xffff  }
0x210: {  	v2 =	vld.idx.msk [tilespmem:v2+s6+$0x0], $0xffff  }
0x211: {  	v3 =	vld.idx.msk [tilespmem:v3+s6+$0x0], $0xffff  }
0x212: {  	v4 =	vld.idx.msk [tilespmem:v4+s6+$0x0], $0xffff  }
0x213: {  	s7 =	simm.s32 $0x1C780;
	v5 =	vld.idx.msk [tilespmem:v5+s6+$0x0], $0xffff  }
0x214: {  	v6 =	vld.idx.msk [tilespmem:v6+s6+$0x0], $0xffff;
	[tilespmem:s7+$0x70] =	vst v0  }
0x215: {  	v7 =	vld.idx.msk [tilespmem:v7+s6+$0x0], $0xffff;
	[tilespmem:s7+$0xFFFFFF90] =	vst v1  }
0x216: {  	v15 =	vld.idx.msk [tilespmem:v15+s6+$0x0], $0xffff;
	[tilespmem:s7+$0xFFFFFFA0] =	vst v2  }
0x217: {  	v8 =	vld.idx.msk [tilespmem:v8+s6+$0x0], $0xffff;
	[tilespmem:s7+$0xFFFFFFB0] =	vst v3  }
0x218: {  	[tilespmem:s7+$0xFFFFFFC0] =	vst v4;
	v0 =	vld.idx.msk [tilespmem:v9+s6+$0x0], $0xffff  }
0x219: {  	[tilespmem:s7+$0xFFFFFFD0] =	vst v5;
	v1 =	vld.idx.msk [tilespmem:v10+s6+$0x0], $0xffff  }
0x21a: {  	[tilespmem:s7+$0xFFFFFFE0] =	vst v6;
	v2 =	vld.idx.msk [tilespmem:v11+s6+$0x0], $0xffff  }
0x21b: {  	[tilespmem:s7+$0xFFFFFFF0] =	vst v7;
	v3 =	vld.idx.msk [tilespmem:v12+s6+$0x0], $0xffff  }
0x21c: {  	[tilespmem:s7+$0xFFFFFF80] =	vst v15;
	v4 =	vld.idx.msk [tilespmem:v13+s6+$0x0], $0xffff  }
0x21d: {  	s4 =	simm.s32 $0x1B8F0;
	s25 =	simm.s32 $0x3000;
	[tilespmem:s7+$0x0] =	vst v8;
	v5 =	vld.idx.msk [tilespmem:v14+s6+$0x0], $0xffff  }
.LBB2_18:
0x21e: {  	v6 =	vld [tilespmem:s4+$0x0];
	s25 =	sadd.s32 $0x100, s25;
	[tilespmem:s7+$0x10] =	vst v0  }
0x21f: {  	v0 =	vld [tilespmem:s4+$0xFFFFFF20];
	p0 =	slt.u32 s25, $0x3700;
	[tilespmem:s7+$0x20] =	vst v1  }
0x220: {  	v1 =	vld [tilespmem:s4+$0xFFFFFF30];
	[tilespmem:s7+$0x30] =	vst v2  }
0x221: {  	v2 =	vld [tilespmem:s4+$0xFFFFFF40];
	[tilespmem:s7+$0x40] =	vst v3  }
0x222: {  	v3 =	vld [tilespmem:s4+$0xFFFFFF50];
	[tilespmem:s7+$0x50] =	vst v4  }
0x223: {  	v4 =	vld [tilespmem:s4+$0xFFFFFF60];
	[tilespmem:s7+$0x60] =	vst v5  }
0x224: {  	v5 =	vld [tilespmem:s4+$0xFFFFFF70]  }
0x225: {  	v7 =	vld [tilespmem:s4+$0xFFFFFF80]  }
0x226: {  	v6 =	vld.idx.msk [tilespmem:v6+s6+$0x0], $0xffff  }
0x227: {  	v8 =	vld [tilespmem:s4+$0xFFFFFF90]  }
0x228: {  	v9 =	vld [tilespmem:s4+$0xFFFFFFA0]  }
0x229: {  	v10 =	vld [tilespmem:s4+$0xFFFFFFB0]  }
0x22a: {  	v11 =	vld [tilespmem:s4+$0xFFFFFFC0]  }
0x22b: {  	s7 =	sadd.s32 $0x100, s7;
	v12 =	vld [tilespmem:s4+$0xFFFFFFD0]  }
0x22c: {  	v13 =	vld [tilespmem:s4+$0xFFFFFFE0];
	[tilespmem:s7+$0x70] =	vst v6  }
0x22d: {  	v6 =	vld [tilespmem:s4+$0xFFFFFFF0]  }
0x22e: {  	v14 =	vld [tilespmem:s4+$0xFFFFFF10]  }
0x22f: {  	v0 =	vld.idx.msk [tilespmem:v0+s6+$0x0], $0xffff  }
0x230: {  	v1 =	vld.idx.msk [tilespmem:v1+s6+$0x0], $0xffff  }
0x231: {  	v2 =	vld.idx.msk [tilespmem:v2+s6+$0x0], $0xffff  }
0x232: {  	v3 =	vld.idx.msk [tilespmem:v3+s6+$0x0], $0xffff  }
0x233: {  	v4 =	vld.idx.msk [tilespmem:v4+s6+$0x0], $0xffff  }
0x234: {  	v5 =	vld.idx.msk [tilespmem:v5+s6+$0x0], $0xffff  }
0x235: {  	[tilespmem:s7+$0xFFFFFF90] =	vst v0;
	v7 =	vld.idx.msk [tilespmem:v7+s6+$0x0], $0xffff  }
0x236: {  	v14 =	vld.idx.msk [tilespmem:v14+s6+$0x0], $0xffff;
	[tilespmem:s7+$0xFFFFFFA0] =	vst v1  }
0x237: {  	[tilespmem:s7+$0xFFFFFFB0] =	vst v2;
	v8 =	vld.idx.msk [tilespmem:v8+s6+$0x0], $0xffff  }
0x238: {  	[tilespmem:s7+$0xFFFFFFC0] =	vst v3;
	v0 =	vld.idx.msk [tilespmem:v9+s6+$0x0], $0xffff  }
.Ltmp12:
0x239: {  	[tilespmem:s7+$0xFFFFFFD0] =	vst v4;
	v1 =	vld.idx.msk [tilespmem:v10+s6+$0x0], $0xffff;
	(pc) =	sbr.rel @p0 .LBB2_18-.Ltmp12, $4  }
0x23a: {  	[tilespmem:s7+$0xFFFFFFE0] =	vst v5;
	v2 =	vld.idx.msk [tilespmem:v11+s6+$0x0], $0xffff  }
0x23b: {  	[tilespmem:s7+$0xFFFFFFF0] =	vst v7;
	v3 =	vld.idx.msk [tilespmem:v12+s6+$0x0], $0xffff  }
0x23c: {  	[tilespmem:s7+$0xFFFFFF80] =	vst v14;
	v4 =	vld.idx.msk [tilespmem:v13+s6+$0x0], $0xffff  }
0x23d: {  	s4 =	sadd.s32 $0x100, s4;
	[tilespmem:s7+$0x0] =	vst v8;
	v5 =	vld.idx.msk [tilespmem:v6+s6+$0x0], $0xffff  }
0x23e: {  	[tilespmem:s7+$0x10] =	vst v0  }
0x23f: {  	[tilespmem:s7+$0x20] =	vst v1  }
0x240: {  	[tilespmem:s7+$0x30] =	vst v2  }
0x241: {  	[tilespmem:s7+$0x40] =	vst v3  }
0x242: {  	[tilespmem:s7+$0x50] =	vst v4  }
0x243: {  	s4 =	sadd.s32 s16, s15;
	[tilespmem:s7+$0x60] =	vst v5  }
0x244: {  	[hbm4b:s4+s17] =	stream.strided.scatter [tilespmem:s21], [sflag:$0x1], $0x800, s18, s17, $0x38;
	[tilespmem:$0x1D700] =	vst v63  }
0x245: {  	_ =	swait.ge [sflag:s24], $0x800  }
0x246: {  	[sflag:s24] =	ssyncset.done $0x0  }
0x247: {  	s25 =	simm.s32 $0x1BFF0;
	[sflag:s24] =	ssyncadd.s32 $0xFFFFF800  }
0x248: {  	v0 =	vld [tilespmem:s25+$0x0]  }
0x249: {  	v1 =	vld [tilespmem:s25+$0xFFFFFF20]  }
0x24a: {  	v2 =	vld [tilespmem:s25+$0xFFFFFF30]  }
0x24b: {  	v3 =	vld [tilespmem:s25+$0xFFFFFF40]  }
0x24c: {  	v4 =	vld [tilespmem:s25+$0xFFFFFF50]  }
0x24d: {  	v5 =	vld [tilespmem:s25+$0xFFFFFF60]  }
0x24e: {  	v6 =	vld [tilespmem:s25+$0xFFFFFF70]  }
0x24f: {  	v7 =	vld [tilespmem:s25+$0xFFFFFF80]  }
0x250: {  	v8 =	vld [tilespmem:s25+$0xFFFFFF90]  }
0x251: {  	v9 =	vld [tilespmem:s25+$0xFFFFFFA0]  }
0x252: {  	v10 =	vld [tilespmem:s25+$0xFFFFFFB0]  }
0x253: {  	v11 =	vld [tilespmem:s25+$0xFFFFFFC0]  }
0x254: {  	v12 =	vld [tilespmem:s25+$0xFFFFFFD0]  }
0x255: {  	v13 =	vld [tilespmem:s25+$0xFFFFFFE0]  }
0x256: {  	v14 =	vld [tilespmem:s25+$0xFFFFFFF0]  }
0x257: {  	v15 =	vld [tilespmem:s25+$0xFFFFFF10]  }
0x258: {  	v0 =	vld.idx.msk [tilespmem:v0+s6+$0x0], $0xffff  }
0x259: {  	v1 =	vld.idx.msk [tilespmem:v1+s6+$0x0], $0xffff  }
0x25a: {  	v2 =	vld.idx.msk [tilespmem:v2+s6+$0x0], $0xffff  }
0x25b: {  	v3 =	vld.idx.msk [tilespmem:v3+s6+$0x0], $0xffff  }
0x25c: {  	v4 =	vld.idx.msk [tilespmem:v4+s6+$0x0], $0xffff  }
0x25d: {  	s7 =	simm.s32 $0x1CF80;
	v5 =	vld.idx.msk [tilespmem:v5+s6+$0x0], $0xffff  }
0x25e: {  	v6 =	vld.idx.msk [tilespmem:v6+s6+$0x0], $0xffff;
	[tilespmem:s7+$0x70] =	vst v0  }
0x25f: {  	v7 =	vld.idx.msk [tilespmem:v7+s6+$0x0], $0xffff;
	[tilespmem:s7+$0xFFFFFF90] =	vst v1  }
0x260: {  	v15 =	vld.idx.msk [tilespmem:v15+s6+$0x0], $0xffff;
	[tilespmem:s7+$0xFFFFFFA0] =	vst v2  }
0x261: {  	v8 =	vld.idx.msk [tilespmem:v8+s6+$0x0], $0xffff;
	[tilespmem:s7+$0xFFFFFFB0] =	vst v3  }
0x262: {  	[tilespmem:s7+$0xFFFFFFC0] =	vst v4;
	v0 =	vld.idx.msk [tilespmem:v9+s6+$0x0], $0xffff  }
0x263: {  	[tilespmem:s7+$0xFFFFFFD0] =	vst v5;
	v1 =	vld.idx.msk [tilespmem:v10+s6+$0x0], $0xffff  }
0x264: {  	[tilespmem:s7+$0xFFFFFFE0] =	vst v6;
	v2 =	vld.idx.msk [tilespmem:v11+s6+$0x0], $0xffff  }
0x265: {  	[tilespmem:s7+$0xFFFFFFF0] =	vst v7;
	v3 =	vld.idx.msk [tilespmem:v12+s6+$0x0], $0xffff  }
0x266: {  	[tilespmem:s7+$0xFFFFFF80] =	vst v15;
	v4 =	vld.idx.msk [tilespmem:v13+s6+$0x0], $0xffff  }
0x267: {  	s16 =	simm.s32 $0x3800;
	s4 =	simm.s32 $0x1C0F0;
	[tilespmem:s7+$0x0] =	vst v8;
	v5 =	vld.idx.msk [tilespmem:v14+s6+$0x0], $0xffff  }
.LBB2_20:
0x268: {  	v6 =	vld [tilespmem:s4+$0x0];
	s16 =	sadd.s32 $0x100, s16;
	[tilespmem:s7+$0x10] =	vst v0  }
0x269: {  	v0 =	vld [tilespmem:s4+$0xFFFFFF20];
	p0 =	slt.u32 s16, $0x3F00;
	[tilespmem:s7+$0x20] =	vst v1  }
0x26a: {  	v1 =	vld [tilespmem:s4+$0xFFFFFF30];
	[tilespmem:s7+$0x30] =	vst v2  }
0x26b: {  	v2 =	vld [tilespmem:s4+$0xFFFFFF40];
	[tilespmem:s7+$0x40] =	vst v3  }
0x26c: {  	v3 =	vld [tilespmem:s4+$0xFFFFFF50];
	[tilespmem:s7+$0x50] =	vst v4  }
0x26d: {  	v4 =	vld [tilespmem:s4+$0xFFFFFF60];
	[tilespmem:s7+$0x60] =	vst v5  }
0x26e: {  	v5 =	vld [tilespmem:s4+$0xFFFFFF70]  }
0x26f: {  	v7 =	vld [tilespmem:s4+$0xFFFFFF80]  }
0x270: {  	v6 =	vld.idx.msk [tilespmem:v6+s6+$0x0], $0xffff  }
0x271: {  	v8 =	vld [tilespmem:s4+$0xFFFFFF90]  }
0x272: {  	v9 =	vld [tilespmem:s4+$0xFFFFFFA0]  }
0x273: {  	v10 =	vld [tilespmem:s4+$0xFFFFFFB0]  }
0x274: {  	v11 =	vld [tilespmem:s4+$0xFFFFFFC0]  }
0x275: {  	s7 =	sadd.s32 $0x100, s7;
	v12 =	vld [tilespmem:s4+$0xFFFFFFD0]  }
0x276: {  	v13 =	vld [tilespmem:s4+$0xFFFFFFE0];
	[tilespmem:s7+$0x70] =	vst v6  }
0x277: {  	v6 =	vld [tilespmem:s4+$0xFFFFFFF0]  }
0x278: {  	v14 =	vld [tilespmem:s4+$0xFFFFFF10]  }
0x279: {  	v0 =	vld.idx.msk [tilespmem:v0+s6+$0x0], $0xffff  }
0x27a: {  	v1 =	vld.idx.msk [tilespmem:v1+s6+$0x0], $0xffff  }
0x27b: {  	v2 =	vld.idx.msk [tilespmem:v2+s6+$0x0], $0xffff  }
0x27c: {  	v3 =	vld.idx.msk [tilespmem:v3+s6+$0x0], $0xffff  }
0x27d: {  	v4 =	vld.idx.msk [tilespmem:v4+s6+$0x0], $0xffff  }
0x27e: {  	v5 =	vld.idx.msk [tilespmem:v5+s6+$0x0], $0xffff  }
0x27f: {  	[tilespmem:s7+$0xFFFFFF90] =	vst v0;
	v7 =	vld.idx.msk [tilespmem:v7+s6+$0x0], $0xffff  }
0x280: {  	v14 =	vld.idx.msk [tilespmem:v14+s6+$0x0], $0xffff;
	[tilespmem:s7+$0xFFFFFFA0] =	vst v1  }
0x281: {  	[tilespmem:s7+$0xFFFFFFB0] =	vst v2;
	v8 =	vld.idx.msk [tilespmem:v8+s6+$0x0], $0xffff  }
0x282: {  	[tilespmem:s7+$0xFFFFFFC0] =	vst v3;
	v0 =	vld.idx.msk [tilespmem:v9+s6+$0x0], $0xffff  }
.Ltmp13:
0x283: {  	[tilespmem:s7+$0xFFFFFFD0] =	vst v4;
	v1 =	vld.idx.msk [tilespmem:v10+s6+$0x0], $0xffff;
	(pc) =	sbr.rel @p0 .LBB2_20-.Ltmp13, $4  }
0x284: {  	[tilespmem:s7+$0xFFFFFFE0] =	vst v5;
	v2 =	vld.idx.msk [tilespmem:v11+s6+$0x0], $0xffff  }
0x285: {  	[tilespmem:s7+$0xFFFFFFF0] =	vst v7;
	v3 =	vld.idx.msk [tilespmem:v12+s6+$0x0], $0xffff  }
0x286: {  	[tilespmem:s7+$0xFFFFFF80] =	vst v14;
	v4 =	vld.idx.msk [tilespmem:v13+s6+$0x0], $0xffff  }
0x287: {  	s4 =	sadd.s32 $0x100, s4;
	[tilespmem:s7+$0x0] =	vst v8;
	v5 =	vld.idx.msk [tilespmem:v6+s6+$0x0], $0xffff  }
0x288: {  	[tilespmem:s7+$0x10] =	vst v0  }
0x289: {  	[tilespmem:s7+$0x20] =	vst v1  }
0x28a: {  	s0 =	sor.u32 s3, s0;
	[tilespmem:s7+$0x30] =	vst v2  }
0x28b: {  	s0 =	sshrl.u32 s0, $0x3;
	[tilespmem:s7+$0x40] =	vst v3  }
0x28c: {  	s0 =	sor.u32 $0x3800, s0;
	[tilespmem:s7+$0x50] =	vst v4  }
0x28d: {  	s29 =	sadd.s32 $0x1, s29;
	s0 =	sadd.s32 s5, s0;
	[tilespmem:s7+$0x60] =	vst v5  }
0x28e: {  	[hbm4b:s0+s17] =	stream.strided.scatter [tilespmem:s22], [sflag:$0x2], $0x800, s18, s17, $0x38;
	[tilespmem:$0x1D700] =	vst v63  }
0x28f: {  	p0 =	slt.s32 s29, s30;
	_ =	swait.ge [sflag:s23], $0x800  }
.Ltmp14:
0x290: {  	[sflag:s23] =	ssyncset.done $0x0;
	(pc) =	sbr.rel @p0 .LBB2_5-.Ltmp14, $4  }
.Ltmp15:
0x291: {  	[sflag:s23] =	ssyncadd.s32 $0xFFFFF800;
	(pc) =	sbr.rel @!p0 .LBB2_22-.Ltmp15, $4  }
0x292: {  	_ =	swait.ge [sflag:s24], $0x800  }
0x293: {  	[sflag:s24] =	ssyncset.done $0x0  }
0x294: {  	[sflag:s24] =	ssyncadd.s32 $0xFFFFF800  }
0x295: {  	_ = 	snop  }
.Lfunc_end2:
_tile_overlayer_lowered:
.L_overlay_start_2:
0x296: {  	(tag) =	ssettag $0x2  }
0x297: {  	s0 =	rddreg [dreg:$0x0];
	s2 =	stileid.u32  }
0x298: {  	s1 =	rddreg [dreg:$0x1];
	p0 =	sne.s32 s2, $0x0  }
0x299: {  	s3 =	rddreg [dreg:$0x2];
	[bflag:$0x3] =	sbarrier.arrive $0xFFFF;
	s2 =	simm.s32 @!p0 $0x1C03  }
0x29a: {  	[timem:s3], [sflag:s2] =	dma.local @!p0 [hbm:s0], s1  }
0x29b: {  	s0 =	simm.s32 @!p0 $0x3  }
0x29c: {  	_ =	swait.ge @!p0 [sflag:s0], s1  }
0x29d: {  	s1 =	ssub.s32 @!p0 $0x0, s1;
	[sflag:s0] =	ssyncset.done @!p0 $0x0  }
0x29e: {  	[sflag:s0] =	ssyncadd.s32 @!p0 s1  }
0x29f: {  	[bflag:$0x3] =	sbarrier.arrive $0xFFFF  }
0x2a0: {  	_ =	shalt  }

</sc_bundles>
